<compile_context>
chip_gen: v7x
topology: tpu7x:2x2x1
jax: 0.10.2.dev20260603
libtpu: 0.0.44.dev20260713+nightly
codegen_flags: <defaults>
</compile_context>

<pallas_src>
import functools

import jax
import jax.numpy as jnp
from jax import lax
from jax.experimental import pallas as pl
from jax.experimental.pallas import tpu as pltpu
from jax.experimental.pallas import tpu_sc as plsc

D = 32
NC = 2
NS = 16
NW = NC * NS
NBUF = 8
G = 4


def _emb_body(rpw, x_hbm, table_hbm, out_hbm, idx_all, rows, sem_i, sg, sw):
    wid = lax.axis_index("s") * NC + lax.axis_index("c")
    rbase = wid * rpw

    pltpu.async_copy(x_hbm.at[pl.ds(rbase, rpw)], idx_all, sem_i).wait()

    def start_gather(i, b):
        pltpu.async_copy(table_hbm.at[idx_all.at[i]], rows.at[b], sg[b])

    def wait_gather(b):
        pltpu.make_async_copy(
            table_hbm.at[idx_all.at[0]], rows.at[b], sg[b]).wait()

    hist = idx_all.shape[1]

    def start_wb(i, b):
        pltpu.async_copy(
            rows.at[b], out_hbm.at[pl.ds((rbase + i) * hist, hist)], sw[b])

    def wait_wb(b):
        pltpu.make_async_copy(
            rows.at[b], out_hbm.at[pl.ds(0, hist)], sw[b]).wait()

    for i in range(G):
        start_gather(i, i)
    for i in range(NBUF - G):
        wait_gather(i)
        start_wb(i, i)
        start_gather(i + G, i + G)
    h = NBUF - G

    def steady(jj, carry):
        for k in range(NBUF):
            i = h + NBUF * jj + k
            b = (h + k) % NBUF
            wait_gather(b)
            start_wb(i, b)
            b2 = (b + G) % NBUF
            wait_wb(b2)
            start_gather(i + G, b2)
        return carry

    lax.fori_loop(0, (rpw - h - G) // NBUF, steady, 0)

    for i in range(rpw - G, rpw):
        b = i % NBUF
        wait_gather(b)
        start_wb(i, b)
    for i in range(rpw - NBUF, rpw):
        wait_wb(i % NBUF)


@jax.jit
def kernel(x, table):
    batch, hist = x.shape
    rpw = batch // NW
    mesh = plsc.VectorSubcoreMesh(core_axis_name="c", subcore_axis_name="s")
    fn = pl.kernel(
        functools.partial(_emb_body, rpw),
        mesh=mesh,
        out_type=jax.ShapeDtypeStruct((batch * hist, D), jnp.float32),
        scratch_types=[
            pltpu.VMEM((rpw, hist), jnp.int32),
            pltpu.VMEM((NBUF, hist, D), jnp.float32),
            pltpu.SemaphoreType.DMA,
            [pltpu.SemaphoreType.DMA] * NBUF,
            [pltpu.SemaphoreType.DMA] * NBUF,
        ],
        compiler_params=pltpu.CompilerParams(use_tc_tiling_on_sc=False),
    )
    return fn(x, table).reshape(batch, hist, D)

# --- scband reference (transcript-rebuilt; emitter-appended) ---
"""Pipeline reference for scband-token-embedding-87497073754512 (READ-ONLY COPY).

The authoritative reference and input builder live on the scoring server;
editing this copy changes nothing except your own understanding.
"""

import jax, jax.numpy as jnp
import numpy as np

VOCAB = 1000000
EMBED_DIM = 32
BATCH = 4096
HIST = 200


def setup_inputs(seed: int = 0) -> dict:
    key = jax.random.key(seed)
    k1, k2 = jax.random.split(key)
    x = jax.random.randint(k1, (BATCH, HIST), 0, VOCAB, dtype=jnp.int32)
    table = jax.random.normal(k2, (VOCAB, EMBED_DIM), dtype=jnp.float32) * 0.02
    return {"x": x, "table": table}


def reference(x, table):
    # nn.Embedding forward == row gather from the weight table
    return jnp.take(table, x, axis=0)

if __name__ == "__main__":
    import jax
    _d = setup_inputs()
    print(jax.jit(kernel)(*tuple(_d.values())))

</pallas_src>

<mosaic_0001>
#map = affine_map<(d0, d1) -> (0, 0)>
module attributes {stable_mosaic.version = 14 : i64} {
  func.func @_emb_body(%arg0: i32, %arg1: i32, %arg2: memref<4096x200xi32, #tpu.memory_space<hbm>>, %arg3: memref<1000000x32xf32, #tpu.memory_space<hbm>>, %arg4: memref<819200x32xf32, #tpu.memory_space<hbm>>, %arg5: memref<128x200xi32, #tpu.memory_space<vmem>>, %arg6: memref<8x200x32xf32, #tpu.memory_space<vmem>>, %arg7: memref<!tpu.dma_semaphore, #tpu.memory_space<semaphore_mem>>, %arg8: memref<!tpu.dma_semaphore, #tpu.memory_space<semaphore_mem>>, %arg9: memref<!tpu.dma_semaphore, #tpu.memory_space<semaphore_mem>>, %arg10: memref<!tpu.dma_semaphore, #tpu.memory_space<semaphore_mem>>, %arg11: memref<!tpu.dma_semaphore, #tpu.memory_space<semaphore_mem>>, %arg12: memref<!tpu.dma_semaphore, #tpu.memory_space<semaphore_mem>>, %arg13: memref<!tpu.dma_semaphore, #tpu.memory_space<semaphore_mem>>, %arg14: memref<!tpu.dma_semaphore, #tpu.memory_space<semaphore_mem>>, %arg15: memref<!tpu.dma_semaphore, #tpu.memory_space<semaphore_mem>>, %arg16: memref<!tpu.dma_semaphore, #tpu.memory_space<semaphore_mem>>, %arg17: memref<!tpu.dma_semaphore, #tpu.memory_space<semaphore_mem>>, %arg18: memref<!tpu.dma_semaphore, #tpu.memory_space<semaphore_mem>>, %arg19: memref<!tpu.dma_semaphore, #tpu.memory_space<semaphore_mem>>, %arg20: memref<!tpu.dma_semaphore, #tpu.memory_space<semaphore_mem>>, %arg21: memref<!tpu.dma_semaphore, #tpu.memory_space<semaphore_mem>>, %arg22: memref<!tpu.dma_semaphore, #tpu.memory_space<semaphore_mem>>, %arg23: memref<!tpu.dma_semaphore, #tpu.memory_space<semaphore_mem>>) attributes {dimension_semantics = [#tpu.dimension_semantics<core_parallel>, #tpu.dimension_semantics<subcore_parallel>], iteration_bounds = array<i64: 2, 16>, scalar_prefetch = 0 : i64, scratch_operands = 19 : i64, tpu.core_type = #tpu.core_type<sc_vector_subcore>, window_params = [{transform_indices = #map}, {transform_indices = #map}, {transform_indices = #map}]} {
    %mul3A = arith.constant 2 : i32
    %mul3A_0 = arith.muli %arg1, %mul3A : i32
    %add3A = arith.addi %mul3A_0, %arg0 : i32
    %mul3A_1 = arith.constant 128 : i32
    %mul3A_2 = arith.muli %add3A, %mul3A_1 : i32
    %dma_start3A = arith.constant 0 : i32
    %dma_start3A_3 = tpu.memref_slice %arg2[%mul3A_2, %dma_start3A] : memref<4096x200xi32, #tpu.memory_space<hbm>> -> memref<128x200xi32, #tpu.memory_space<hbm>>
    %dma_start3A_4 = arith.constant 0 : i32
    %dma_start3A_5 = tpu.memref_slice %arg2[%mul3A_2, %dma_start3A_4] : memref<4096x200xi32, #tpu.memory_space<hbm>> -> memref<128x200xi32, #tpu.memory_space<hbm>>
    tpu.enqueue_dma source(%dma_start3A_5 : memref<128x200xi32, #tpu.memory_space<hbm>>) target(%arg5 : memref<128x200xi32, #tpu.memory_space<vmem>>) target_semaphore(%arg7 : memref<!tpu.dma_semaphore, #tpu.memory_space<semaphore_mem>>)
    %dma_wait3A = arith.constant 0 : i32
    %dma_wait3A_6 = tpu.memref_slice %arg2[%mul3A_2, %dma_wait3A] : memref<4096x200xi32, #tpu.memory_space<hbm>> -> memref<128x200xi32, #tpu.memory_space<hbm>>
    %dma_wait3A_7 = arith.constant 0 : i32
    %dma_wait3A_8 = tpu.memref_slice %arg2[%mul3A_2, %dma_wait3A_7] : memref<4096x200xi32, #tpu.memory_space<hbm>> -> memref<128x200xi32, #tpu.memory_space<hbm>>
    tpu.wait_dma2 semaphore(%arg7 : memref<!tpu.dma_semaphore, #tpu.memory_space<semaphore_mem>>) src(%dma_wait3A_8 : memref<128x200xi32, #tpu.memory_space<hbm>>) dst(%arg5 : memref<128x200xi32, #tpu.memory_space<vmem>>)
    %dma_start3A_9 = arith.constant 0 : i32
    %dma_start3A_10 = arith.constant 0 : i32
    %dma_start3A_11 = arith.constant 0 : i32
    %dma_start3A_12 = arith.constant 0 : i32
    %dma_start3A_13 = tpu.memref_slice %arg6[%dma_start3A_10, %dma_start3A_11, %dma_start3A_12] : memref<8x200x32xf32, #tpu.memory_space<vmem>> -> memref<1x200x32xf32, #tpu.memory_space<vmem>>
    %dma_start3A_14 = tpu.memref_squeeze %dma_start3A_13 : memref<1x200x32xf32, #tpu.memory_space<vmem>> -> memref<200x32xf32, #tpu.memory_space<vmem>>
    %dma_start3A_15 = arith.constant 0 : i32
    %dma_start3A_16 = tpu.memref_slice %arg5[%dma_start3A_9, %dma_start3A_15] : memref<128x200xi32, #tpu.memory_space<vmem>> -> memref<1x200xi32, #tpu.memory_space<vmem>>
    %dma_start3A_17 = tpu.memref_squeeze %dma_start3A_16 : memref<1x200xi32, #tpu.memory_space<vmem>> -> memref<200xi32, #tpu.memory_space<vmem>>
    %dma_start3A_18 = arith.constant 0 : i32
    %dma_start3A_19 = arith.constant 0 : i32
    %dma_start3A_20 = tpu.memref_slice %arg3[%dma_start3A_18, %dma_start3A_19] : memref<1000000x32xf32, #tpu.memory_space<hbm>> -> memref<1000000x32xf32, #tpu.memory_space<hbm>>
    tpu.enqueue_indirect_dma source(%dma_start3A_20 : memref<1000000x32xf32, #tpu.memory_space<hbm>>) target(%dma_start3A_14 : memref<200x32xf32, #tpu.memory_space<vmem>>) offsets(%dma_start3A_17 : memref<200xi32, #tpu.memory_space<vmem>>) semaphore(%arg8 : memref<!tpu.dma_semaphore, #tpu.memory_space<semaphore_mem>>)
    %dma_start3A_21 = arith.constant 1 : i32
    %dma_start3A_22 = arith.constant 1 : i32
    %dma_start3A_23 = arith.constant 0 : i32
    %dma_start3A_24 = arith.constant 0 : i32
    %dma_start3A_25 = tpu.memref_slice %arg6[%dma_start3A_22, %dma_start3A_23, %dma_start3A_24] : memref<8x200x32xf32, #tpu.memory_space<vmem>> -> memref<1x200x32xf32, #tpu.memory_space<vmem>>
    %dma_start3A_26 = tpu.memref_squeeze %dma_start3A_25 : memref<1x200x32xf32, #tpu.memory_space<vmem>> -> memref<200x32xf32, #tpu.memory_space<vmem>>
    %dma_start3A_27 = arith.constant 0 : i32
    %dma_start3A_28 = tpu.memref_slice %arg5[%dma_start3A_21, %dma_start3A_27] : memref<128x200xi32, #tpu.memory_space<vmem>> -> memref<1x200xi32, #tpu.memory_space<vmem>>
    %dma_start3A_29 = tpu.memref_squeeze %dma_start3A_28 : memref<1x200xi32, #tpu.memory_space<vmem>> -> memref<200xi32, #tpu.memory_space<vmem>>
    %dma_start3A_30 = arith.constant 0 : i32
    %dma_start3A_31 = arith.constant 0 : i32
    %dma_start3A_32 = tpu.memref_slice %arg3[%dma_start3A_30, %dma_start3A_31] : memref<1000000x32xf32, #tpu.memory_space<hbm>> -> memref<1000000x32xf32, #tpu.memory_space<hbm>>
    tpu.enqueue_indirect_dma source(%dma_start3A_32 : memref<1000000x32xf32, #tpu.memory_space<hbm>>) target(%dma_start3A_26 : memref<200x32xf32, #tpu.memory_space<vmem>>) offsets(%dma_start3A_29 : memref<200xi32, #tpu.memory_space<vmem>>) semaphore(%arg9 : memref<!tpu.dma_semaphore, #tpu.memory_space<semaphore_mem>>)
    %dma_start3A_33 = arith.constant 2 : i32
    %dma_start3A_34 = arith.constant 2 : i32
    %dma_start3A_35 = arith.constant 0 : i32
    %dma_start3A_36 = arith.constant 0 : i32
    %dma_start3A_37 = tpu.memref_slice %arg6[%dma_start3A_34, %dma_start3A_35, %dma_start3A_36] : memref<8x200x32xf32, #tpu.memory_space<vmem>> -> memref<1x200x32xf32, #tpu.memory_space<vmem>>
    %dma_start3A_38 = tpu.memref_squeeze %dma_start3A_37 : memref<1x200x32xf32, #tpu.memory_space<vmem>> -> memref<200x32xf32, #tpu.memory_space<vmem>>
    %dma_start3A_39 = arith.constant 0 : i32
    %dma_start3A_40 = tpu.memref_slice %arg5[%dma_start3A_33, %dma_start3A_39] : memref<128x200xi32, #tpu.memory_space<vmem>> -> memref<1x200xi32, #tpu.memory_space<vmem>>
    %dma_start3A_41 = tpu.memref_squeeze %dma_start3A_40 : memref<1x200xi32, #tpu.memory_space<vmem>> -> memref<200xi32, #tpu.memory_space<vmem>>
    %dma_start3A_42 = arith.constant 0 : i32
    %dma_start3A_43 = arith.constant 0 : i32
    %dma_start3A_44 = tpu.memref_slice %arg3[%dma_start3A_42, %dma_start3A_43] : memref<1000000x32xf32, #tpu.memory_space<hbm>> -> memref<1000000x32xf32, #tpu.memory_space<hbm>>
    tpu.enqueue_indirect_dma source(%dma_start3A_44 : memref<1000000x32xf32, #tpu.memory_space<hbm>>) target(%dma_start3A_38 : memref<200x32xf32, #tpu.memory_space<vmem>>) offsets(%dma_start3A_41 : memref<200xi32, #tpu.memory_space<vmem>>) semaphore(%arg10 : memref<!tpu.dma_semaphore, #tpu.memory_space<semaphore_mem>>)
    %dma_start3A_45 = arith.constant 3 : i32
    %dma_start3A_46 = arith.constant 3 : i32
    %dma_start3A_47 = arith.constant 0 : i32
    %dma_start3A_48 = arith.constant 0 : i32
    %dma_start3A_49 = tpu.memref_slice %arg6[%dma_start3A_46, %dma_start3A_47, %dma_start3A_48] : memref<8x200x32xf32, #tpu.memory_space<vmem>> -> memref<1x200x32xf32, #tpu.memory_space<vmem>>
    %dma_start3A_50 = tpu.memref_squeeze %dma_start3A_49 : memref<1x200x32xf32, #tpu.memory_space<vmem>> -> memref<200x32xf32, #tpu.memory_space<vmem>>
    %dma_start3A_51 = arith.constant 0 : i32
    %dma_start3A_52 = tpu.memref_slice %arg5[%dma_start3A_45, %dma_start3A_51] : memref<128x200xi32, #tpu.memory_space<vmem>> -> memref<1x200xi32, #tpu.memory_space<vmem>>
    %dma_start3A_53 = tpu.memref_squeeze %dma_start3A_52 : memref<1x200xi32, #tpu.memory_space<vmem>> -> memref<200xi32, #tpu.memory_space<vmem>>
    %dma_start3A_54 = arith.constant 0 : i32
    %dma_start3A_55 = arith.constant 0 : i32
    %dma_start3A_56 = tpu.memref_slice %arg3[%dma_start3A_54, %dma_start3A_55] : memref<1000000x32xf32, #tpu.memory_space<hbm>> -> memref<1000000x32xf32, #tpu.memory_space<hbm>>
    tpu.enqueue_indirect_dma source(%dma_start3A_56 : memref<1000000x32xf32, #tpu.memory_space<hbm>>) target(%dma_start3A_50 : memref<200x32xf32, #tpu.memory_space<vmem>>) offsets(%dma_start3A_53 : memref<200xi32, #tpu.memory_space<vmem>>) semaphore(%arg11 : memref<!tpu.dma_semaphore, #tpu.memory_space<semaphore_mem>>)
    %dma_wait3A_57 = arith.constant 0 : i32
    %dma_wait3A_58 = arith.constant 0 : i32
    %dma_wait3A_59 = arith.constant 0 : i32
    %dma_wait3A_60 = arith.constant 0 : i32
    %dma_wait3A_61 = tpu.memref_slice %arg6[%dma_wait3A_58, %dma_wait3A_59, %dma_wait3A_60] : memref<8x200x32xf32, #tpu.memory_space<vmem>> -> memref<1x200x32xf32, #tpu.memory_space<vmem>>
    %dma_wait3A_62 = tpu.memref_squeeze %dma_wait3A_61 : memref<1x200x32xf32, #tpu.memory_space<vmem>> -> memref<200x32xf32, #tpu.memory_space<vmem>>
    %dma_wait3A_63 = arith.constant 0 : i32
    %dma_wait3A_64 = tpu.memref_slice %arg5[%dma_wait3A_57, %dma_wait3A_63] : memref<128x200xi32, #tpu.memory_space<vmem>> -> memref<1x200xi32, #tpu.memory_space<vmem>>
    %dma_wait3A_65 = tpu.memref_squeeze %dma_wait3A_64 : memref<1x200xi32, #tpu.memory_space<vmem>> -> memref<200xi32, #tpu.memory_space<vmem>>
    %dma_wait3A_66 = arith.constant 0 : i32
    %dma_wait3A_67 = arith.constant 0 : i32
    %dma_wait3A_68 = tpu.memref_slice %arg3[%dma_wait3A_66, %dma_wait3A_67] : memref<1000000x32xf32, #tpu.memory_space<hbm>> -> memref<1000000x32xf32, #tpu.memory_space<hbm>>
    tpu.wait_indirect_dma semaphore(%arg8 : memref<!tpu.dma_semaphore, #tpu.memory_space<semaphore_mem>>) src(%dma_wait3A_68 : memref<1000000x32xf32, #tpu.memory_space<hbm>>) dst(%dma_wait3A_62 : memref<200x32xf32, #tpu.memory_space<vmem>>)
    %add3A_69 = arith.constant 0 : i32
    %add3A_70 = arith.addi %mul3A_2, %add3A_69 : i32
    %mul3A_71 = arith.constant 200 : i32
    %mul3A_72 = arith.muli %add3A_70, %mul3A_71 : i32
    %dma_start3A_73 = arith.constant 0 : i32
    %dma_start3A_74 = arith.constant 0 : i32
    %dma_start3A_75 = arith.constant 0 : i32
    %dma_start3A_76 = tpu.memref_slice %arg6[%dma_start3A_73, %dma_start3A_74, %dma_start3A_75] : memref<8x200x32xf32, #tpu.memory_space<vmem>> -> memref<1x200x32xf32, #tpu.memory_space<vmem>>
    %dma_start3A_77 = tpu.memref_squeeze %dma_start3A_76 : memref<1x200x32xf32, #tpu.memory_space<vmem>> -> memref<200x32xf32, #tpu.memory_space<vmem>>
    %dma_start3A_78 = arith.constant 0 : i32
    %dma_start3A_79 = tpu.memref_slice %arg4[%mul3A_72, %dma_start3A_78] : memref<819200x32xf32, #tpu.memory_space<hbm>> -> memref<200x32xf32, #tpu.memory_space<hbm>>
    %dma_start3A_80 = arith.constant 0 : i32
    %dma_start3A_81 = tpu.memref_slice %arg4[%mul3A_72, %dma_start3A_80] : memref<819200x32xf32, #tpu.memory_space<hbm>> -> memref<200x32xf32, #tpu.memory_space<hbm>>
    %dma_start3A_82 = arith.constant 0 : i32
    %dma_start3A_83 = arith.constant 0 : i32
    %dma_start3A_84 = tpu.memref_slice %arg6[%dma_start3A_73, %dma_start3A_82, %dma_start3A_83] : memref<8x200x32xf32, #tpu.memory_space<vmem>> -> memref<1x200x32xf32, #tpu.memory_space<vmem>>
    %dma_start3A_85 = tpu.memref_squeeze %dma_start3A_84 : memref<1x200x32xf32, #tpu.memory_space<vmem>> -> memref<200x32xf32, #tpu.memory_space<vmem>>
    tpu.enqueue_dma source(%dma_start3A_85 : memref<200x32xf32, #tpu.memory_space<vmem>>) target(%dma_start3A_81 : memref<200x32xf32, #tpu.memory_space<hbm>>) target_semaphore(%arg16 : memref<!tpu.dma_semaphore, #tpu.memory_space<semaphore_mem>>)
    %dma_start3A_86 = arith.constant 4 : i32
    %dma_start3A_87 = arith.constant 4 : i32
    %dma_start3A_88 = arith.constant 0 : i32
    %dma_start3A_89 = arith.constant 0 : i32
    %dma_start3A_90 = tpu.memref_slice %arg6[%dma_start3A_87, %dma_start3A_88, %dma_start3A_89] : memref<8x200x32xf32, #tpu.memory_space<vmem>> -> memref<1x200x32xf32, #tpu.memory_space<vmem>>
    %dma_start3A_91 = tpu.memref_squeeze %dma_start3A_90 : memref<1x200x32xf32, #tpu.memory_space<vmem>> -> memref<200x32xf32, #tpu.memory_space<vmem>>
    %dma_start3A_92 = arith.constant 0 : i32
    %dma_start3A_93 = tpu.memref_slice %arg5[%dma_start3A_86, %dma_start3A_92] : memref<128x200xi32, #tpu.memory_space<vmem>> -> memref<1x200xi32, #tpu.memory_space<vmem>>
    %dma_start3A_94 = tpu.memref_squeeze %dma_start3A_93 : memref<1x200xi32, #tpu.memory_space<vmem>> -> memref<200xi32, #tpu.memory_space<vmem>>
    %dma_start3A_95 = arith.constant 0 : i32
    %dma_start3A_96 = arith.constant 0 : i32
    %dma_start3A_97 = tpu.memref_slice %arg3[%dma_start3A_95, %dma_start3A_96] : memref<1000000x32xf32, #tpu.memory_space<hbm>> -> memref<1000000x32xf32, #tpu.memory_space<hbm>>
    tpu.enqueue_indirect_dma source(%dma_start3A_97 : memref<1000000x32xf32, #tpu.memory_space<hbm>>) target(%dma_start3A_91 : memref<200x32xf32, #tpu.memory_space<vmem>>) offsets(%dma_start3A_94 : memref<200xi32, #tpu.memory_space<vmem>>) semaphore(%arg12 : memref<!tpu.dma_semaphore, #tpu.memory_space<semaphore_mem>>)
    %dma_wait3A_98 = arith.constant 0 : i32
    %dma_wait3A_99 = arith.constant 1 : i32
    %dma_wait3A_100 = arith.constant 0 : i32
    %dma_wait3A_101 = arith.constant 0 : i32
    %dma_wait3A_102 = tpu.memref_slice %arg6[%dma_wait3A_99, %dma_wait3A_100, %dma_wait3A_101] : memref<8x200x32xf32, #tpu.memory_space<vmem>> -> memref<1x200x32xf32, #tpu.memory_space<vmem>>
    %dma_wait3A_103 = tpu.memref_squeeze %dma_wait3A_102 : memref<1x200x32xf32, #tpu.memory_space<vmem>> -> memref<200x32xf32, #tpu.memory_space<vmem>>
    %dma_wait3A_104 = arith.constant 0 : i32
    %dma_wait3A_105 = tpu.memref_slice %arg5[%dma_wait3A_98, %dma_wait3A_104] : memref<128x200xi32, #tpu.memory_space<vmem>> -> memref<1x200xi32, #tpu.memory_space<vmem>>
    %dma_wait3A_106 = tpu.memref_squeeze %dma_wait3A_105 : memref<1x200xi32, #tpu.memory_space<vmem>> -> memref<200xi32, #tpu.memory_space<vmem>>
    %dma_wait3A_107 = arith.constant 0 : i32
    %dma_wait3A_108 = arith.constant 0 : i32
    %dma_wait3A_109 = tpu.memref_slice %arg3[%dma_wait3A_107, %dma_wait3A_108] : memref<1000000x32xf32, #tpu.memory_space<hbm>> -> memref<1000000x32xf32, #tpu.memory_space<hbm>>
    tpu.wait_indirect_dma semaphore(%arg9 : memref<!tpu.dma_semaphore, #tpu.memory_space<semaphore_mem>>) src(%dma_wait3A_109 : memref<1000000x32xf32, #tpu.memory_space<hbm>>) dst(%dma_wait3A_103 : memref<200x32xf32, #tpu.memory_space<vmem>>)
    %add3A_110 = arith.constant 1 : i32
    %add3A_111 = arith.addi %mul3A_2, %add3A_110 : i32
    %mul3A_112 = arith.constant 200 : i32
    %mul3A_113 = arith.muli %add3A_111, %mul3A_112 : i32
    %dma_start3A_114 = arith.constant 1 : i32
    %dma_start3A_115 = arith.constant 0 : i32
    %dma_start3A_116 = arith.constant 0 : i32
    %dma_start3A_117 = tpu.memref_slice %arg6[%dma_start3A_114, %dma_start3A_115, %dma_start3A_116] : memref<8x200x32xf32, #tpu.memory_space<vmem>> -> memref<1x200x32xf32, #tpu.memory_space<vmem>>
    %dma_start3A_118 = tpu.memref_squeeze %dma_start3A_117 : memref<1x200x32xf32, #tpu.memory_space<vmem>> -> memref<200x32xf32, #tpu.memory_space<vmem>>
    %dma_start3A_119 = arith.constant 0 : i32
    %dma_start3A_120 = tpu.memref_slice %arg4[%mul3A_113, %dma_start3A_119] : memref<819200x32xf32, #tpu.memory_space<hbm>> -> memref<200x32xf32, #tpu.memory_space<hbm>>
    %dma_start3A_121 = arith.constant 0 : i32
    %dma_start3A_122 = tpu.memref_slice %arg4[%mul3A_113, %dma_start3A_121] : memref<819200x32xf32, #tpu.memory_space<hbm>> -> memref<200x32xf32, #tpu.memory_space<hbm>>
    %dma_start3A_123 = arith.constant 0 : i32
    %dma_start3A_124 = arith.constant 0 : i32
    %dma_start3A_125 = tpu.memref_slice %arg6[%dma_start3A_114, %dma_start3A_123, %dma_start3A_124] : memref<8x200x32xf32, #tpu.memory_space<vmem>> -> memref<1x200x32xf32, #tpu.memory_space<vmem>>
    %dma_start3A_126 = tpu.memref_squeeze %dma_start3A_125 : memref<1x200x32xf32, #tpu.memory_space<vmem>> -> memref<200x32xf32, #tpu.memory_space<vmem>>
    tpu.enqueue_dma source(%dma_start3A_126 : memref<200x32xf32, #tpu.memory_space<vmem>>) target(%dma_start3A_122 : memref<200x32xf32, #tpu.memory_space<hbm>>) target_semaphore(%arg17 : memref<!tpu.dma_semaphore, #tpu.memory_space<semaphore_mem>>)
    %dma_start3A_127 = arith.constant 5 : i32
    %dma_start3A_128 = arith.constant 5 : i32
    %dma_start3A_129 = arith.constant 0 : i32
    %dma_start3A_130 = arith.constant 0 : i32
    %dma_start3A_131 = tpu.memref_slice %arg6[%dma_start3A_128, %dma_start3A_129, %dma_start3A_130] : memref<8x200x32xf32, #tpu.memory_space<vmem>> -> memref<1x200x32xf32, #tpu.memory_space<vmem>>
    %dma_start3A_132 = tpu.memref_squeeze %dma_start3A_131 : memref<1x200x32xf32, #tpu.memory_space<vmem>> -> memref<200x32xf32, #tpu.memory_space<vmem>>
    %dma_start3A_133 = arith.constant 0 : i32
    %dma_start3A_134 = tpu.memref_slice %arg5[%dma_start3A_127, %dma_start3A_133] : memref<128x200xi32, #tpu.memory_space<vmem>> -> memref<1x200xi32, #tpu.memory_space<vmem>>
    %dma_start3A_135 = tpu.memref_squeeze %dma_start3A_134 : memref<1x200xi32, #tpu.memory_space<vmem>> -> memref<200xi32, #tpu.memory_space<vmem>>
    %dma_start3A_136 = arith.constant 0 : i32
    %dma_start3A_137 = arith.constant 0 : i32
    %dma_start3A_138 = tpu.memref_slice %arg3[%dma_start3A_136, %dma_start3A_137] : memref<1000000x32xf32, #tpu.memory_space<hbm>> -> memref<1000000x32xf32, #tpu.memory_space<hbm>>
    tpu.enqueue_indirect_dma source(%dma_start3A_138 : memref<1000000x32xf32, #tpu.memory_space<hbm>>) target(%dma_start3A_132 : memref<200x32xf32, #tpu.memory_space<vmem>>) offsets(%dma_start3A_135 : memref<200xi32, #tpu.memory_space<vmem>>) semaphore(%arg13 : memref<!tpu.dma_semaphore, #tpu.memory_space<semaphore_mem>>)
    %dma_wait3A_139 = arith.constant 0 : i32
    %dma_wait3A_140 = arith.constant 2 : i32
    %dma_wait3A_141 = arith.constant 0 : i32
    %dma_wait3A_142 = arith.constant 0 : i32
    %dma_wait3A_143 = tpu.memref_slice %arg6[%dma_wait3A_140, %dma_wait3A_141, %dma_wait3A_142] : memref<8x200x32xf32, #tpu.memory_space<vmem>> -> memref<1x200x32xf32, #tpu.memory_space<vmem>>
    %dma_wait3A_144 = tpu.memref_squeeze %dma_wait3A_143 : memref<1x200x32xf32, #tpu.memory_space<vmem>> -> memref<200x32xf32, #tpu.memory_space<vmem>>
    %dma_wait3A_145 = arith.constant 0 : i32
    %dma_wait3A_146 = tpu.memref_slice %arg5[%dma_wait3A_139, %dma_wait3A_145] : memref<128x200xi32, #tpu.memory_space<vmem>> -> memref<1x200xi32, #tpu.memory_space<vmem>>
    %dma_wait3A_147 = tpu.memref_squeeze %dma_wait3A_146 : memref<1x200xi32, #tpu.memory_space<vmem>> -> memref<200xi32, #tpu.memory_space<vmem>>
    %dma_wait3A_148 = arith.constant 0 : i32
    %dma_wait3A_149 = arith.constant 0 : i32
    %dma_wait3A_150 = tpu.memref_slice %arg3[%dma_wait3A_148, %dma_wait3A_149] : memref<1000000x32xf32, #tpu.memory_space<hbm>> -> memref<1000000x32xf32, #tpu.memory_space<hbm>>
    tpu.wait_indirect_dma semaphore(%arg10 : memref<!tpu.dma_semaphore, #tpu.memory_space<semaphore_mem>>) src(%dma_wait3A_150 : memref<1000000x32xf32, #tpu.memory_space<hbm>>) dst(%dma_wait3A_144 : memref<200x32xf32, #tpu.memory_space<vmem>>)
    %add3A_151 = arith.constant 2 : i32
    %add3A_152 = arith.addi %mul3A_2, %add3A_151 : i32
    %mul3A_153 = arith.constant 200 : i32
    %mul3A_154 = arith.muli %add3A_152, %mul3A_153 : i32
    %dma_start3A_155 = arith.constant 2 : i32
    %dma_start3A_156 = arith.constant 0 : i32
    %dma_start3A_157 = arith.constant 0 : i32
    %dma_start3A_158 = tpu.memref_slice %arg6[%dma_start3A_155, %dma_start3A_156, %dma_start3A_157] : memref<8x200x32xf32, #tpu.memory_space<vmem>> -> memref<1x200x32xf32, #tpu.memory_space<vmem>>
    %dma_start3A_159 = tpu.memref_squeeze %dma_start3A_158 : memref<1x200x32xf32, #tpu.memory_space<vmem>> -> memref<200x32xf32, #tpu.memory_space<vmem>>
    %dma_start3A_160 = arith.constant 0 : i32
    %dma_start3A_161 = tpu.memref_slice %arg4[%mul3A_154, %dma_start3A_160] : memref<819200x32xf32, #tpu.memory_space<hbm>> -> memref<200x32xf32, #tpu.memory_space<hbm>>
    %dma_start3A_162 = arith.constant 0 : i32
    %dma_start3A_163 = tpu.memref_slice %arg4[%mul3A_154, %dma_start3A_162] : memref<819200x32xf32, #tpu.memory_space<hbm>> -> memref<200x32xf32, #tpu.memory_space<hbm>>
    %dma_start3A_164 = arith.constant 0 : i32
    %dma_start3A_165 = arith.constant 0 : i32
    %dma_start3A_166 = tpu.memref_slice %arg6[%dma_start3A_155, %dma_start3A_164, %dma_start3A_165] : memref<8x200x32xf32, #tpu.memory_space<vmem>> -> memref<1x200x32xf32, #tpu.memory_space<vmem>>
    %dma_start3A_167 = tpu.memref_squeeze %dma_start3A_166 : memref<1x200x32xf32, #tpu.memory_space<vmem>> -> memref<200x32xf32, #tpu.memory_space<vmem>>
    tpu.enqueue_dma source(%dma_start3A_167 : memref<200x32xf32, #tpu.memory_space<vmem>>) target(%dma_start3A_163 : memref<200x32xf32, #tpu.memory_space<hbm>>) target_semaphore(%arg18 : memref<!tpu.dma_semaphore, #tpu.memory_space<semaphore_mem>>)
    %dma_start3A_168 = arith.constant 6 : i32
    %dma_start3A_169 = arith.constant 6 : i32
    %dma_start3A_170 = arith.constant 0 : i32
    %dma_start3A_171 = arith.constant 0 : i32
    %dma_start3A_172 = tpu.memref_slice %arg6[%dma_start3A_169, %dma_start3A_170, %dma_start3A_171] : memref<8x200x32xf32, #tpu.memory_space<vmem>> -> memref<1x200x32xf32, #tpu.memory_space<vmem>>
    %dma_start3A_173 = tpu.memref_squeeze %dma_start3A_172 : memref<1x200x32xf32, #tpu.memory_space<vmem>> -> memref<200x32xf32, #tpu.memory_space<vmem>>
    %dma_start3A_174 = arith.constant 0 : i32
    %dma_start3A_175 = tpu.memref_slice %arg5[%dma_start3A_168, %dma_start3A_174] : memref<128x200xi32, #tpu.memory_space<vmem>> -> memref<1x200xi32, #tpu.memory_space<vmem>>
    %dma_start3A_176 = tpu.memref_squeeze %dma_start3A_175 : memref<1x200xi32, #tpu.memory_space<vmem>> -> memref<200xi32, #tpu.memory_space<vmem>>
    %dma_start3A_177 = arith.constant 0 : i32
    %dma_start3A_178 = arith.constant 0 : i32
    %dma_start3A_179 = tpu.memref_slice %arg3[%dma_start3A_177, %dma_start3A_178] : memref<1000000x32xf32, #tpu.memory_space<hbm>> -> memref<1000000x32xf32, #tpu.memory_space<hbm>>
    tpu.enqueue_indirect_dma source(%dma_start3A_179 : memref<1000000x32xf32, #tpu.memory_space<hbm>>) target(%dma_start3A_173 : memref<200x32xf32, #tpu.memory_space<vmem>>) offsets(%dma_start3A_176 : memref<200xi32, #tpu.memory_space<vmem>>) semaphore(%arg14 : memref<!tpu.dma_semaphore, #tpu.memory_space<semaphore_mem>>)
    %dma_wait3A_180 = arith.constant 0 : i32
    %dma_wait3A_181 = arith.constant 3 : i32
    %dma_wait3A_182 = arith.constant 0 : i32
    %dma_wait3A_183 = arith.constant 0 : i32
    %dma_wait3A_184 = tpu.memref_slice %arg6[%dma_wait3A_181, %dma_wait3A_182, %dma_wait3A_183] : memref<8x200x32xf32, #tpu.memory_space<vmem>> -> memref<1x200x32xf32, #tpu.memory_space<vmem>>
    %dma_wait3A_185 = tpu.memref_squeeze %dma_wait3A_184 : memref<1x200x32xf32, #tpu.memory_space<vmem>> -> memref<200x32xf32, #tpu.memory_space<vmem>>
    %dma_wait3A_186 = arith.constant 0 : i32
    %dma_wait3A_187 = tpu.memref_slice %arg5[%dma_wait3A_180, %dma_wait3A_186] : memref<128x200xi32, #tpu.memory_space<vmem>> -> memref<1x200xi32, #tpu.memory_space<vmem>>
    %dma_wait3A_188 = tpu.memref_squeeze %dma_wait3A_187 : memref<1x200xi32, #tpu.memory_space<vmem>> -> memref<200xi32, #tpu.memory_space<vmem>>
    %dma_wait3A_189 = arith.constant 0 : i32
    %dma_wait3A_190 = arith.constant 0 : i32
    %dma_wait3A_191 = tpu.memref_slice %arg3[%dma_wait3A_189, %dma_wait3A_190] : memref<1000000x32xf32, #tpu.memory_space<hbm>> -> memref<1000000x32xf32, #tpu.memory_space<hbm>>
    tpu.wait_indirect_dma semaphore(%arg11 : memref<!tpu.dma_semaphore, #tpu.memory_space<semaphore_mem>>) src(%dma_wait3A_191 : memref<1000000x32xf32, #tpu.memory_space<hbm>>) dst(%dma_wait3A_185 : memref<200x32xf32, #tpu.memory_space<vmem>>)
    %add3A_192 = arith.constant 3 : i32
    %add3A_193 = arith.addi %mul3A_2, %add3A_192 : i32
    %mul3A_194 = arith.constant 200 : i32
    %mul3A_195 = arith.muli %add3A_193, %mul3A_194 : i32
    %dma_start3A_196 = arith.constant 3 : i32
    %dma_start3A_197 = arith.constant 0 : i32
    %dma_start3A_198 = arith.constant 0 : i32
    %dma_start3A_199 = tpu.memref_slice %arg6[%dma_start3A_196, %dma_start3A_197, %dma_start3A_198] : memref<8x200x32xf32, #tpu.memory_space<vmem>> -> memref<1x200x32xf32, #tpu.memory_space<vmem>>
    %dma_start3A_200 = tpu.memref_squeeze %dma_start3A_199 : memref<1x200x32xf32, #tpu.memory_space<vmem>> -> memref<200x32xf32, #tpu.memory_space<vmem>>
    %dma_start3A_201 = arith.constant 0 : i32
    %dma_start3A_202 = tpu.memref_slice %arg4[%mul3A_195, %dma_start3A_201] : memref<819200x32xf32, #tpu.memory_space<hbm>> -> memref<200x32xf32, #tpu.memory_space<hbm>>
    %dma_start3A_203 = arith.constant 0 : i32
    %dma_start3A_204 = tpu.memref_slice %arg4[%mul3A_195, %dma_start3A_203] : memref<819200x32xf32, #tpu.memory_space<hbm>> -> memref<200x32xf32, #tpu.memory_space<hbm>>
    %dma_start3A_205 = arith.constant 0 : i32
    %dma_start3A_206 = arith.constant 0 : i32
    %dma_start3A_207 = tpu.memref_slice %arg6[%dma_start3A_196, %dma_start3A_205, %dma_start3A_206] : memref<8x200x32xf32, #tpu.memory_space<vmem>> -> memref<1x200x32xf32, #tpu.memory_space<vmem>>
    %dma_start3A_208 = tpu.memref_squeeze %dma_start3A_207 : memref<1x200x32xf32, #tpu.memory_space<vmem>> -> memref<200x32xf32, #tpu.memory_space<vmem>>
    tpu.enqueue_dma source(%dma_start3A_208 : memref<200x32xf32, #tpu.memory_space<vmem>>) target(%dma_start3A_204 : memref<200x32xf32, #tpu.memory_space<hbm>>) target_semaphore(%arg19 : memref<!tpu.dma_semaphore, #tpu.memory_space<semaphore_mem>>)
    %dma_start3A_209 = arith.constant 7 : i32
    %dma_start3A_210 = arith.constant 7 : i32
    %dma_start3A_211 = arith.constant 0 : i32
    %dma_start3A_212 = arith.constant 0 : i32
    %dma_start3A_213 = tpu.memref_slice %arg6[%dma_start3A_210, %dma_start3A_211, %dma_start3A_212] : memref<8x200x32xf32, #tpu.memory_space<vmem>> -> memref<1x200x32xf32, #tpu.memory_space<vmem>>
    %dma_start3A_214 = tpu.memref_squeeze %dma_start3A_213 : memref<1x200x32xf32, #tpu.memory_space<vmem>> -> memref<200x32xf32, #tpu.memory_space<vmem>>
    %dma_start3A_215 = arith.constant 0 : i32
    %dma_start3A_216 = tpu.memref_slice %arg5[%dma_start3A_209, %dma_start3A_215] : memref<128x200xi32, #tpu.memory_space<vmem>> -> memref<1x200xi32, #tpu.memory_space<vmem>>
    %dma_start3A_217 = tpu.memref_squeeze %dma_start3A_216 : memref<1x200xi32, #tpu.memory_space<vmem>> -> memref<200xi32, #tpu.memory_space<vmem>>
    %dma_start3A_218 = arith.constant 0 : i32
    %dma_start3A_219 = arith.constant 0 : i32
    %dma_start3A_220 = tpu.memref_slice %arg3[%dma_start3A_218, %dma_start3A_219] : memref<1000000x32xf32, #tpu.memory_space<hbm>> -> memref<1000000x32xf32, #tpu.memory_space<hbm>>
    tpu.enqueue_indirect_dma source(%dma_start3A_220 : memref<1000000x32xf32, #tpu.memory_space<hbm>>) target(%dma_start3A_214 : memref<200x32xf32, #tpu.memory_space<vmem>>) offsets(%dma_start3A_217 : memref<200xi32, #tpu.memory_space<vmem>>) semaphore(%arg15 : memref<!tpu.dma_semaphore, #tpu.memory_space<semaphore_mem>>)
    %scan3A = arith.constant 0 : i32
    %scan3A_221 = arith.constant 0 : i32
    %scan3A_222 = arith.constant 15 : i32
    %scan3A_223 = arith.addi %scan3A_221, %scan3A_222 : i32
    %scan3A_224 = arith.constant 1 : i32
    scf.for %scan3A_462 = %scan3A_221 to %scan3A_223 step %scan3A_224  : i32 {
      %mul3A_463 = arith.constant 8 : i32
      %mul3A_464 = arith.muli %mul3A_463, %scan3A_462 : i32
      %add3A_465 = arith.constant 4 : i32
      %add3A_466 = arith.addi %add3A_465, %mul3A_464 : i32
      %add3A_467 = arith.constant 0 : i32
      %add3A_468 = arith.addi %add3A_466, %add3A_467 : i32
      %dma_wait3A_469 = arith.constant 0 : i32
      %dma_wait3A_470 = arith.constant 4 : i32
      %dma_wait3A_471 = arith.constant 0 : i32
      %dma_wait3A_472 = arith.constant 0 : i32
      %dma_wait3A_473 = tpu.memref_slice %arg6[%dma_wait3A_470, %dma_wait3A_471, %dma_wait3A_472] : memref<8x200x32xf32, #tpu.memory_space<vmem>> -> memref<1x200x32xf32, #tpu.memory_space<vmem>>
      %dma_wait3A_474 = tpu.memref_squeeze %dma_wait3A_473 : memref<1x200x32xf32, #tpu.memory_space<vmem>> -> memref<200x32xf32, #tpu.memory_space<vmem>>
      %dma_wait3A_475 = arith.constant 0 : i32
      %dma_wait3A_476 = tpu.memref_slice %arg5[%dma_wait3A_469, %dma_wait3A_475] : memref<128x200xi32, #tpu.memory_space<vmem>> -> memref<1x200xi32, #tpu.memory_space<vmem>>
      %dma_wait3A_477 = tpu.memref_squeeze %dma_wait3A_476 : memref<1x200xi32, #tpu.memory_space<vmem>> -> memref<200xi32, #tpu.memory_space<vmem>>
      %dma_wait3A_478 = arith.constant 0 : i32
      %dma_wait3A_479 = arith.constant 0 : i32
      %dma_wait3A_480 = tpu.memref_slice %arg3[%dma_wait3A_478, %dma_wait3A_479] : memref<1000000x32xf32, #tpu.memory_space<hbm>> -> memref<1000000x32xf32, #tpu.memory_space<hbm>>
      tpu.wait_indirect_dma semaphore(%arg12 : memref<!tpu.dma_semaphore, #tpu.memory_space<semaphore_mem>>) src(%dma_wait3A_480 : memref<1000000x32xf32, #tpu.memory_space<hbm>>) dst(%dma_wait3A_474 : memref<200x32xf32, #tpu.memory_space<vmem>>)
      %add3A_481 = arith.addi %mul3A_2, %add3A_468 : i32
      %mul3A_482 = arith.constant 200 : i32
      %mul3A_483 = arith.muli %add3A_481, %mul3A_482 : i32
      %dma_start3A_484 = arith.constant 4 : i32
      %dma_start3A_485 = arith.constant 0 : i32
      %dma_start3A_486 = arith.constant 0 : i32
      %dma_start3A_487 = tpu.memref_slice %arg6[%dma_start3A_484, %dma_start3A_485, %dma_start3A_486] : memref<8x200x32xf32, #tpu.memory_space<vmem>> -> memref<1x200x32xf32, #tpu.memory_space<vmem>>
      %dma_start3A_488 = tpu.memref_squeeze %dma_start3A_487 : memref<1x200x32xf32, #tpu.memory_space<vmem>> -> memref<200x32xf32, #tpu.memory_space<vmem>>
      %dma_start3A_489 = arith.constant 0 : i32
      %dma_start3A_490 = tpu.memref_slice %arg4[%mul3A_483, %dma_start3A_489] : memref<819200x32xf32, #tpu.memory_space<hbm>> -> memref<200x32xf32, #tpu.memory_space<hbm>>
      %dma_start3A_491 = arith.constant 0 : i32
      %dma_start3A_492 = tpu.memref_slice %arg4[%mul3A_483, %dma_start3A_491] : memref<819200x32xf32, #tpu.memory_space<hbm>> -> memref<200x32xf32, #tpu.memory_space<hbm>>
      %dma_start3A_493 = arith.constant 0 : i32
      %dma_start3A_494 = arith.constant 0 : i32
      %dma_start3A_495 = tpu.memref_slice %arg6[%dma_start3A_484, %dma_start3A_493, %dma_start3A_494] : memref<8x200x32xf32, #tpu.memory_space<vmem>> -> memref<1x200x32xf32, #tpu.memory_space<vmem>>
      %dma_start3A_496 = tpu.memref_squeeze %dma_start3A_495 : memref<1x200x32xf32, #tpu.memory_space<vmem>> -> memref<200x32xf32, #tpu.memory_space<vmem>>
      tpu.enqueue_dma source(%dma_start3A_496 : memref<200x32xf32, #tpu.memory_space<vmem>>) target(%dma_start3A_492 : memref<200x32xf32, #tpu.memory_space<hbm>>) target_semaphore(%arg20 : memref<!tpu.dma_semaphore, #tpu.memory_space<semaphore_mem>>)
      %dma_wait3A_497 = arith.constant 0 : i32
      %dma_wait3A_498 = arith.constant 0 : i32
      %dma_wait3A_499 = arith.constant 0 : i32
      %dma_wait3A_500 = tpu.memref_slice %arg6[%dma_wait3A_497, %dma_wait3A_498, %dma_wait3A_499] : memref<8x200x32xf32, #tpu.memory_space<vmem>> -> memref<1x200x32xf32, #tpu.memory_space<vmem>>
      %dma_wait3A_501 = tpu.memref_squeeze %dma_wait3A_500 : memref<1x200x32xf32, #tpu.memory_space<vmem>> -> memref<200x32xf32, #tpu.memory_space<vmem>>
      %dma_wait3A_502 = arith.constant 0 : i32
      %dma_wait3A_503 = arith.constant 0 : i32
      %dma_wait3A_504 = tpu.memref_slice %arg4[%dma_wait3A_502, %dma_wait3A_503] : memref<819200x32xf32, #tpu.memory_space<hbm>> -> memref<200x32xf32, #tpu.memory_space<hbm>>
      %dma_wait3A_505 = arith.constant 0 : i32
      %dma_wait3A_506 = arith.constant 0 : i32
      %dma_wait3A_507 = tpu.memref_slice %arg4[%dma_wait3A_505, %dma_wait3A_506] : memref<819200x32xf32, #tpu.memory_space<hbm>> -> memref<200x32xf32, #tpu.memory_space<hbm>>
      %dma_wait3A_508 = arith.constant 0 : i32
      %dma_wait3A_509 = arith.constant 0 : i32
      %dma_wait3A_510 = tpu.memref_slice %arg6[%dma_wait3A_497, %dma_wait3A_508, %dma_wait3A_509] : memref<8x200x32xf32, #tpu.memory_space<vmem>> -> memref<1x200x32xf32, #tpu.memory_space<vmem>>
      %dma_wait3A_511 = tpu.memref_squeeze %dma_wait3A_510 : memref<1x200x32xf32, #tpu.memory_space<vmem>> -> memref<200x32xf32, #tpu.memory_space<vmem>>
      tpu.wait_dma2 semaphore(%arg16 : memref<!tpu.dma_semaphore, #tpu.memory_space<semaphore_mem>>) src(%dma_wait3A_511 : memref<200x32xf32, #tpu.memory_space<vmem>>) dst(%dma_wait3A_507 : memref<200x32xf32, #tpu.memory_space<hbm>>)
      %add3A_512 = arith.constant 4 : i32
      %add3A_513 = arith.addi %add3A_468, %add3A_512 : i32
      %dma_start3A_514 = arith.constant 0 : i32
      %dma_start3A_515 = arith.constant 0 : i32
      %dma_start3A_516 = arith.constant 0 : i32
      %dma_start3A_517 = tpu.memref_slice %arg6[%dma_start3A_514, %dma_start3A_515, %dma_start3A_516] : memref<8x200x32xf32, #tpu.memory_space<vmem>> -> memref<1x200x32xf32, #tpu.memory_space<vmem>>
      %dma_start3A_518 = tpu.memref_squeeze %dma_start3A_517 : memref<1x200x32xf32, #tpu.memory_space<vmem>> -> memref<200x32xf32, #tpu.memory_space<vmem>>
      %dma_start3A_519 = arith.constant 0 : i32
      %dma_start3A_520 = tpu.memref_slice %arg5[%add3A_513, %dma_start3A_519] : memref<128x200xi32, #tpu.memory_space<vmem>> -> memref<1x200xi32, #tpu.memory_space<vmem>>
      %dma_start3A_521 = tpu.memref_squeeze %dma_start3A_520 : memref<1x200xi32, #tpu.memory_space<vmem>> -> memref<200xi32, #tpu.memory_space<vmem>>
      %dma_start3A_522 = arith.constant 0 : i32
      %dma_start3A_523 = arith.constant 0 : i32
      %dma_start3A_524 = tpu.memref_slice %arg3[%dma_start3A_522, %dma_start3A_523] : memref<1000000x32xf32, #tpu.memory_space<hbm>> -> memref<1000000x32xf32, #tpu.memory_space<hbm>>
      tpu.enqueue_indirect_dma source(%dma_start3A_524 : memref<1000000x32xf32, #tpu.memory_space<hbm>>) target(%dma_start3A_518 : memref<200x32xf32, #tpu.memory_space<vmem>>) offsets(%dma_start3A_521 : memref<200xi32, #tpu.memory_space<vmem>>) semaphore(%arg8 : memref<!tpu.dma_semaphore, #tpu.memory_space<semaphore_mem>>)
      %mul3A_525 = arith.constant 8 : i32
      %mul3A_526 = arith.muli %mul3A_525, %scan3A_462 : i32
      %add3A_527 = arith.constant 4 : i32
      %add3A_528 = arith.addi %add3A_527, %mul3A_526 : i32
      %add3A_529 = arith.constant 1 : i32
      %add3A_530 = arith.addi %add3A_528, %add3A_529 : i32
      %dma_wait3A_531 = arith.constant 0 : i32
      %dma_wait3A_532 = arith.constant 5 : i32
      %dma_wait3A_533 = arith.constant 0 : i32
      %dma_wait3A_534 = arith.constant 0 : i32
      %dma_wait3A_535 = tpu.memref_slice %arg6[%dma_wait3A_532, %dma_wait3A_533, %dma_wait3A_534] : memref<8x200x32xf32, #tpu.memory_space<vmem>> -> memref<1x200x32xf32, #tpu.memory_space<vmem>>
      %dma_wait3A_536 = tpu.memref_squeeze %dma_wait3A_535 : memref<1x200x32xf32, #tpu.memory_space<vmem>> -> memref<200x32xf32, #tpu.memory_space<vmem>>
      %dma_wait3A_537 = arith.constant 0 : i32
      %dma_wait3A_538 = tpu.memref_slice %arg5[%dma_wait3A_531, %dma_wait3A_537] : memref<128x200xi32, #tpu.memory_space<vmem>> -> memref<1x200xi32, #tpu.memory_space<vmem>>
      %dma_wait3A_539 = tpu.memref_squeeze %dma_wait3A_538 : memref<1x200xi32, #tpu.memory_space<vmem>> -> memref<200xi32, #tpu.memory_space<vmem>>
      %dma_wait3A_540 = arith.constant 0 : i32
      %dma_wait3A_541 = arith.constant 0 : i32
      %dma_wait3A_542 = tpu.memref_slice %arg3[%dma_wait3A_540, %dma_wait3A_541] : memref<1000000x32xf32, #tpu.memory_space<hbm>> -> memref<1000000x32xf32, #tpu.memory_space<hbm>>
      tpu.wait_indirect_dma semaphore(%arg13 : memref<!tpu.dma_semaphore, #tpu.memory_space<semaphore_mem>>) src(%dma_wait3A_542 : memref<1000000x32xf32, #tpu.memory_space<hbm>>) dst(%dma_wait3A_536 : memref<200x32xf32, #tpu.memory_space<vmem>>)
      %add3A_543 = arith.addi %mul3A_2, %add3A_530 : i32
      %mul3A_544 = arith.constant 200 : i32
      %mul3A_545 = arith.muli %add3A_543, %mul3A_544 : i32
      %dma_start3A_546 = arith.constant 5 : i32
      %dma_start3A_547 = arith.constant 0 : i32
      %dma_start3A_548 = arith.constant 0 : i32
      %dma_start3A_549 = tpu.memref_slice %arg6[%dma_start3A_546, %dma_start3A_547, %dma_start3A_548] : memref<8x200x32xf32, #tpu.memory_space<vmem>> -> memref<1x200x32xf32, #tpu.memory_space<vmem>>
      %dma_start3A_550 = tpu.memref_squeeze %dma_start3A_549 : memref<1x200x32xf32, #tpu.memory_space<vmem>> -> memref<200x32xf32, #tpu.memory_space<vmem>>
      %dma_start3A_551 = arith.constant 0 : i32
      %dma_start3A_552 = tpu.memref_slice %arg4[%mul3A_545, %dma_start3A_551] : memref<819200x32xf32, #tpu.memory_space<hbm>> -> memref<200x32xf32, #tpu.memory_space<hbm>>
      %dma_start3A_553 = arith.constant 0 : i32
      %dma_start3A_554 = tpu.memref_slice %arg4[%mul3A_545, %dma_start3A_553] : memref<819200x32xf32, #tpu.memory_space<hbm>> -> memref<200x32xf32, #tpu.memory_space<hbm>>
      %dma_start3A_555 = arith.constant 0 : i32
      %dma_start3A_556 = arith.constant 0 : i32
      %dma_start3A_557 = tpu.memref_slice %arg6[%dma_start3A_546, %dma_start3A_555, %dma_start3A_556] : memref<8x200x32xf32, #tpu.memory_space<vmem>> -> memref<1x200x32xf32, #tpu.memory_space<vmem>>
      %dma_start3A_558 = tpu.memref_squeeze %dma_start3A_557 : memref<1x200x32xf32, #tpu.memory_space<vmem>> -> memref<200x32xf32, #tpu.memory_space<vmem>>
      tpu.enqueue_dma source(%dma_start3A_558 : memref<200x32xf32, #tpu.memory_space<vmem>>) target(%dma_start3A_554 : memref<200x32xf32, #tpu.memory_space<hbm>>) target_semaphore(%arg21 : memref<!tpu.dma_semaphore, #tpu.memory_space<semaphore_mem>>)
      %dma_wait3A_559 = arith.constant 1 : i32
      %dma_wait3A_560 = arith.constant 0 : i32
      %dma_wait3A_561 = arith.constant 0 : i32
      %dma_wait3A_562 = tpu.memref_slice %arg6[%dma_wait3A_559, %dma_wait3A_560, %dma_wait3A_561] : memref<8x200x32xf32, #tpu.memory_space<vmem>> -> memref<1x200x32xf32, #tpu.memory_space<vmem>>
      %dma_wait3A_563 = tpu.memref_squeeze %dma_wait3A_562 : memref<1x200x32xf32, #tpu.memory_space<vmem>> -> memref<200x32xf32, #tpu.memory_space<vmem>>
      %dma_wait3A_564 = arith.constant 0 : i32
      %dma_wait3A_565 = arith.constant 0 : i32
      %dma_wait3A_566 = tpu.memref_slice %arg4[%dma_wait3A_564, %dma_wait3A_565] : memref<819200x32xf32, #tpu.memory_space<hbm>> -> memref<200x32xf32, #tpu.memory_space<hbm>>
      %dma_wait3A_567 = arith.constant 0 : i32
      %dma_wait3A_568 = arith.constant 0 : i32
      %dma_wait3A_569 = tpu.memref_slice %arg4[%dma_wait3A_567, %dma_wait3A_568] : memref<819200x32xf32, #tpu.memory_space<hbm>> -> memref<200x32xf32, #tpu.memory_space<hbm>>
      %dma_wait3A_570 = arith.constant 0 : i32
      %dma_wait3A_571 = arith.constant 0 : i32
      %dma_wait3A_572 = tpu.memref_slice %arg6[%dma_wait3A_559, %dma_wait3A_570, %dma_wait3A_571] : memref<8x200x32xf32, #tpu.memory_space<vmem>> -> memref<1x200x32xf32, #tpu.memory_space<vmem>>
      %dma_wait3A_573 = tpu.memref_squeeze %dma_wait3A_572 : memref<1x200x32xf32, #tpu.memory_space<vmem>> -> memref<200x32xf32, #tpu.memory_space<vmem>>
      tpu.wait_dma2 semaphore(%arg17 : memref<!tpu.dma_semaphore, #tpu.memory_space<semaphore_mem>>) src(%dma_wait3A_573 : memref<200x32xf32, #tpu.memory_space<vmem>>) dst(%dma_wait3A_569 : memref<200x32xf32, #tpu.memory_space<hbm>>)
      %add3A_574 = arith.constant 4 : i32
      %add3A_575 = arith.addi %add3A_530, %add3A_574 : i32
      %dma_start3A_576 = arith.constant 1 : i32
      %dma_start3A_577 = arith.constant 0 : i32
      %dma_start3A_578 = arith.constant 0 : i32
      %dma_start3A_579 = tpu.memref_slice %arg6[%dma_start3A_576, %dma_start3A_577, %dma_start3A_578] : memref<8x200x32xf32, #tpu.memory_space<vmem>> -> memref<1x200x32xf32, #tpu.memory_space<vmem>>
      %dma_start3A_580 = tpu.memref_squeeze %dma_start3A_579 : memref<1x200x32xf32, #tpu.memory_space<vmem>> -> memref<200x32xf32, #tpu.memory_space<vmem>>
      %dma_start3A_581 = arith.constant 0 : i32
      %dma_start3A_582 = tpu.memref_slice %arg5[%add3A_575, %dma_start3A_581] : memref<128x200xi32, #tpu.memory_space<vmem>> -> memref<1x200xi32, #tpu.memory_space<vmem>>
      %dma_start3A_583 = tpu.memref_squeeze %dma_start3A_582 : memref<1x200xi32, #tpu.memory_space<vmem>> -> memref<200xi32, #tpu.memory_space<vmem>>
      %dma_start3A_584 = arith.constant 0 : i32
      %dma_start3A_585 = arith.constant 0 : i32
      %dma_start3A_586 = tpu.memref_slice %arg3[%dma_start3A_584, %dma_start3A_585] : memref<1000000x32xf32, #tpu.memory_space<hbm>> -> memref<1000000x32xf32, #tpu.memory_space<hbm>>
      tpu.enqueue_indirect_dma source(%dma_start3A_586 : memref<1000000x32xf32, #tpu.memory_space<hbm>>) target(%dma_start3A_580 : memref<200x32xf32, #tpu.memory_space<vmem>>) offsets(%dma_start3A_583 : memref<200xi32, #tpu.memory_space<vmem>>) semaphore(%arg9 : memref<!tpu.dma_semaphore, #tpu.memory_space<semaphore_mem>>)
      %mul3A_587 = arith.constant 8 : i32
      %mul3A_588 = arith.muli %mul3A_587, %scan3A_462 : i32
      %add3A_589 = arith.constant 4 : i32
      %add3A_590 = arith.addi %add3A_589, %mul3A_588 : i32
      %add3A_591 = arith.constant 2 : i32
      %add3A_592 = arith.addi %add3A_590, %add3A_591 : i32
      %dma_wait3A_593 = arith.constant 0 : i32
      %dma_wait3A_594 = arith.constant 6 : i32
      %dma_wait3A_595 = arith.constant 0 : i32
      %dma_wait3A_596 = arith.constant 0 : i32
      %dma_wait3A_597 = tpu.memref_slice %arg6[%dma_wait3A_594, %dma_wait3A_595, %dma_wait3A_596] : memref<8x200x32xf32, #tpu.memory_space<vmem>> -> memref<1x200x32xf32, #tpu.memory_space<vmem>>
      %dma_wait3A_598 = tpu.memref_squeeze %dma_wait3A_597 : memref<1x200x32xf32, #tpu.memory_space<vmem>> -> memref<200x32xf32, #tpu.memory_space<vmem>>
      %dma_wait3A_599 = arith.constant 0 : i32
      %dma_wait3A_600 = tpu.memref_slice %arg5[%dma_wait3A_593, %dma_wait3A_599] : memref<128x200xi32, #tpu.memory_space<vmem>> -> memref<1x200xi32, #tpu.memory_space<vmem>>
      %dma_wait3A_601 = tpu.memref_squeeze %dma_wait3A_600 : memref<1x200xi32, #tpu.memory_space<vmem>> -> memref<200xi32, #tpu.memory_space<vmem>>
      %dma_wait3A_602 = arith.constant 0 : i32
      %dma_wait3A_603 = arith.constant 0 : i32
      %dma_wait3A_604 = tpu.memref_slice %arg3[%dma_wait3A_602, %dma_wait3A_603] : memref<1000000x32xf32, #tpu.memory_space<hbm>> -> memref<1000000x32xf32, #tpu.memory_space<hbm>>
      tpu.wait_indirect_dma semaphore(%arg14 : memref<!tpu.dma_semaphore, #tpu.memory_space<semaphore_mem>>) src(%dma_wait3A_604 : memref<1000000x32xf32, #tpu.memory_space<hbm>>) dst(%dma_wait3A_598 : memref<200x32xf32, #tpu.memory_space<vmem>>)
      %add3A_605 = arith.addi %mul3A_2, %add3A_592 : i32
      %mul3A_606 = arith.constant 200 : i32
      %mul3A_607 = arith.muli %add3A_605, %mul3A_606 : i32
      %dma_start3A_608 = arith.constant 6 : i32
      %dma_start3A_609 = arith.constant 0 : i32
      %dma_start3A_610 = arith.constant 0 : i32
      %dma_start3A_611 = tpu.memref_slice %arg6[%dma_start3A_608, %dma_start3A_609, %dma_start3A_610] : memref<8x200x32xf32, #tpu.memory_space<vmem>> -> memref<1x200x32xf32, #tpu.memory_space<vmem>>
      %dma_start3A_612 = tpu.memref_squeeze %dma_start3A_611 : memref<1x200x32xf32, #tpu.memory_space<vmem>> -> memref<200x32xf32, #tpu.memory_space<vmem>>
      %dma_start3A_613 = arith.constant 0 : i32
      %dma_start3A_614 = tpu.memref_slice %arg4[%mul3A_607, %dma_start3A_613] : memref<819200x32xf32, #tpu.memory_space<hbm>> -> memref<200x32xf32, #tpu.memory_space<hbm>>
      %dma_start3A_615 = arith.constant 0 : i32
      %dma_start3A_616 = tpu.memref_slice %arg4[%mul3A_607, %dma_start3A_615] : memref<819200x32xf32, #tpu.memory_space<hbm>> -> memref<200x32xf32, #tpu.memory_space<hbm>>
      %dma_start3A_617 = arith.constant 0 : i32
      %dma_start3A_618 = arith.constant 0 : i32
      %dma_start3A_619 = tpu.memref_slice %arg6[%dma_start3A_608, %dma_start3A_617, %dma_start3A_618] : memref<8x200x32xf32, #tpu.memory_space<vmem>> -> memref<1x200x32xf32, #tpu.memory_space<vmem>>
      %dma_start3A_620 = tpu.memref_squeeze %dma_start3A_619 : memref<1x200x32xf32, #tpu.memory_space<vmem>> -> memref<200x32xf32, #tpu.memory_space<vmem>>
      tpu.enqueue_dma source(%dma_start3A_620 : memref<200x32xf32, #tpu.memory_space<vmem>>) target(%dma_start3A_616 : memref<200x32xf32, #tpu.memory_space<hbm>>) target_semaphore(%arg22 : memref<!tpu.dma_semaphore, #tpu.memory_space<semaphore_mem>>)
      %dma_wait3A_621 = arith.constant 2 : i32
      %dma_wait3A_622 = arith.constant 0 : i32
      %dma_wait3A_623 = arith.constant 0 : i32
      %dma_wait3A_624 = tpu.memref_slice %arg6[%dma_wait3A_621, %dma_wait3A_622, %dma_wait3A_623] : memref<8x200x32xf32, #tpu.memory_space<vmem>> -> memref<1x200x32xf32, #tpu.memory_space<vmem>>
      %dma_wait3A_625 = tpu.memref_squeeze %dma_wait3A_624 : memref<1x200x32xf32, #tpu.memory_space<vmem>> -> memref<200x32xf32, #tpu.memory_space<vmem>>
      %dma_wait3A_626 = arith.constant 0 : i32
      %dma_wait3A_627 = arith.constant 0 : i32
      %dma_wait3A_628 = tpu.memref_slice %arg4[%dma_wait3A_626, %dma_wait3A_627] : memref<819200x32xf32, #tpu.memory_space<hbm>> -> memref<200x32xf32, #tpu.memory_space<hbm>>
      %dma_wait3A_629 = arith.constant 0 : i32
      %dma_wait3A_630 = arith.constant 0 : i32
      %dma_wait3A_631 = tpu.memref_slice %arg4[%dma_wait3A_629, %dma_wait3A_630] : memref<819200x32xf32, #tpu.memory_space<hbm>> -> memref<200x32xf32, #tpu.memory_space<hbm>>
      %dma_wait3A_632 = arith.constant 0 : i32
      %dma_wait3A_633 = arith.constant 0 : i32
      %dma_wait3A_634 = tpu.memref_slice %arg6[%dma_wait3A_621, %dma_wait3A_632, %dma_wait3A_633] : memref<8x200x32xf32, #tpu.memory_space<vmem>> -> memref<1x200x32xf32, #tpu.memory_space<vmem>>
      %dma_wait3A_635 = tpu.memref_squeeze %dma_wait3A_634 : memref<1x200x32xf32, #tpu.memory_space<vmem>> -> memref<200x32xf32, #tpu.memory_space<vmem>>
      tpu.wait_dma2 semaphore(%arg18 : memref<!tpu.dma_semaphore, #tpu.memory_space<semaphore_mem>>) src(%dma_wait3A_635 : memref<200x32xf32, #tpu.memory_space<vmem>>) dst(%dma_wait3A_631 : memref<200x32xf32, #tpu.memory_space<hbm>>)
      %add3A_636 = arith.constant 4 : i32
      %add3A_637 = arith.addi %add3A_592, %add3A_636 : i32
      %dma_start3A_638 = arith.constant 2 : i32
      %dma_start3A_639 = arith.constant 0 : i32
      %dma_start3A_640 = arith.constant 0 : i32
      %dma_start3A_641 = tpu.memref_slice %arg6[%dma_start3A_638, %dma_start3A_639, %dma_start3A_640] : memref<8x200x32xf32, #tpu.memory_space<vmem>> -> memref<1x200x32xf32, #tpu.memory_space<vmem>>
      %dma_start3A_642 = tpu.memref_squeeze %dma_start3A_641 : memref<1x200x32xf32, #tpu.memory_space<vmem>> -> memref<200x32xf32, #tpu.memory_space<vmem>>
      %dma_start3A_643 = arith.constant 0 : i32
      %dma_start3A_644 = tpu.memref_slice %arg5[%add3A_637, %dma_start3A_643] : memref<128x200xi32, #tpu.memory_space<vmem>> -> memref<1x200xi32, #tpu.memory_space<vmem>>
      %dma_start3A_645 = tpu.memref_squeeze %dma_start3A_644 : memref<1x200xi32, #tpu.memory_space<vmem>> -> memref<200xi32, #tpu.memory_space<vmem>>
      %dma_start3A_646 = arith.constant 0 : i32
      %dma_start3A_647 = arith.constant 0 : i32
      %dma_start3A_648 = tpu.memref_slice %arg3[%dma_start3A_646, %dma_start3A_647] : memref<1000000x32xf32, #tpu.memory_space<hbm>> -> memref<1000000x32xf32, #tpu.memory_space<hbm>>
      tpu.enqueue_indirect_dma source(%dma_start3A_648 : memref<1000000x32xf32, #tpu.memory_space<hbm>>) target(%dma_start3A_642 : memref<200x32xf32, #tpu.memory_space<vmem>>) offsets(%dma_start3A_645 : memref<200xi32, #tpu.memory_space<vmem>>) semaphore(%arg10 : memref<!tpu.dma_semaphore, #tpu.memory_space<semaphore_mem>>)
      %mul3A_649 = arith.constant 8 : i32
      %mul3A_650 = arith.muli %mul3A_649, %scan3A_462 : i32
      %add3A_651 = arith.constant 4 : i32
      %add3A_652 = arith.addi %add3A_651, %mul3A_650 : i32
      %add3A_653 = arith.constant 3 : i32
      %add3A_654 = arith.addi %add3A_652, %add3A_653 : i32
      %dma_wait3A_655 = arith.constant 0 : i32
      %dma_wait3A_656 = arith.constant 7 : i32
      %dma_wait3A_657 = arith.constant 0 : i32
      %dma_wait3A_658 = arith.constant 0 : i32
      %dma_wait3A_659 = tpu.memref_slice %arg6[%dma_wait3A_656, %dma_wait3A_657, %dma_wait3A_658] : memref<8x200x32xf32, #tpu.memory_space<vmem>> -> memref<1x200x32xf32, #tpu.memory_space<vmem>>
      %dma_wait3A_660 = tpu.memref_squeeze %dma_wait3A_659 : memref<1x200x32xf32, #tpu.memory_space<vmem>> -> memref<200x32xf32, #tpu.memory_space<vmem>>
      %dma_wait3A_661 = arith.constant 0 : i32
      %dma_wait3A_662 = tpu.memref_slice %arg5[%dma_wait3A_655, %dma_wait3A_661] : memref<128x200xi32, #tpu.memory_space<vmem>> -> memref<1x200xi32, #tpu.memory_space<vmem>>
      %dma_wait3A_663 = tpu.memref_squeeze %dma_wait3A_662 : memref<1x200xi32, #tpu.memory_space<vmem>> -> memref<200xi32, #tpu.memory_space<vmem>>
      %dma_wait3A_664 = arith.constant 0 : i32
      %dma_wait3A_665 = arith.constant 0 : i32
      %dma_wait3A_666 = tpu.memref_slice %arg3[%dma_wait3A_664, %dma_wait3A_665] : memref<1000000x32xf32, #tpu.memory_space<hbm>> -> memref<1000000x32xf32, #tpu.memory_space<hbm>>
      tpu.wait_indirect_dma semaphore(%arg15 : memref<!tpu.dma_semaphore, #tpu.memory_space<semaphore_mem>>) src(%dma_wait3A_666 : memref<1000000x32xf32, #tpu.memory_space<hbm>>) dst(%dma_wait3A_660 : memref<200x32xf32, #tpu.memory_space<vmem>>)
      %add3A_667 = arith.addi %mul3A_2, %add3A_654 : i32
      %mul3A_668 = arith.constant 200 : i32
      %mul3A_669 = arith.muli %add3A_667, %mul3A_668 : i32
      %dma_start3A_670 = arith.constant 7 : i32
      %dma_start3A_671 = arith.constant 0 : i32
      %dma_start3A_672 = arith.constant 0 : i32
      %dma_start3A_673 = tpu.memref_slice %arg6[%dma_start3A_670, %dma_start3A_671, %dma_start3A_672] : memref<8x200x32xf32, #tpu.memory_space<vmem>> -> memref<1x200x32xf32, #tpu.memory_space<vmem>>
      %dma_start3A_674 = tpu.memref_squeeze %dma_start3A_673 : memref<1x200x32xf32, #tpu.memory_space<vmem>> -> memref<200x32xf32, #tpu.memory_space<vmem>>
      %dma_start3A_675 = arith.constant 0 : i32
      %dma_start3A_676 = tpu.memref_slice %arg4[%mul3A_669, %dma_start3A_675] : memref<819200x32xf32, #tpu.memory_space<hbm>> -> memref<200x32xf32, #tpu.memory_space<hbm>>
      %dma_start3A_677 = arith.constant 0 : i32
      %dma_start3A_678 = tpu.memref_slice %arg4[%mul3A_669, %dma_start3A_677] : memref<819200x32xf32, #tpu.memory_space<hbm>> -> memref<200x32xf32, #tpu.memory_space<hbm>>
      %dma_start3A_679 = arith.constant 0 : i32
      %dma_start3A_680 = arith.constant 0 : i32
      %dma_start3A_681 = tpu.memref_slice %arg6[%dma_start3A_670, %dma_start3A_679, %dma_start3A_680] : memref<8x200x32xf32, #tpu.memory_space<vmem>> -> memref<1x200x32xf32, #tpu.memory_space<vmem>>
      %dma_start3A_682 = tpu.memref_squeeze %dma_start3A_681 : memref<1x200x32xf32, #tpu.memory_space<vmem>> -> memref<200x32xf32, #tpu.memory_space<vmem>>
      tpu.enqueue_dma source(%dma_start3A_682 : memref<200x32xf32, #tpu.memory_space<vmem>>) target(%dma_start3A_678 : memref<200x32xf32, #tpu.memory_space<hbm>>) target_semaphore(%arg23 : memref<!tpu.dma_semaphore, #tpu.memory_space<semaphore_mem>>)
      %dma_wait3A_683 = arith.constant 3 : i32
      %dma_wait3A_684 = arith.constant 0 : i32
      %dma_wait3A_685 = arith.constant 0 : i32
      %dma_wait3A_686 = tpu.memref_slice %arg6[%dma_wait3A_683, %dma_wait3A_684, %dma_wait3A_685] : memref<8x200x32xf32, #tpu.memory_space<vmem>> -> memref<1x200x32xf32, #tpu.memory_space<vmem>>
      %dma_wait3A_687 = tpu.memref_squeeze %dma_wait3A_686 : memref<1x200x32xf32, #tpu.memory_space<vmem>> -> memref<200x32xf32, #tpu.memory_space<vmem>>
      %dma_wait3A_688 = arith.constant 0 : i32
      %dma_wait3A_689 = arith.constant 0 : i32
      %dma_wait3A_690 = tpu.memref_slice %arg4[%dma_wait3A_688, %dma_wait3A_689] : memref<819200x32xf32, #tpu.memory_space<hbm>> -> memref<200x32xf32, #tpu.memory_space<hbm>>
      %dma_wait3A_691 = arith.constant 0 : i32
      %dma_wait3A_692 = arith.constant 0 : i32
      %dma_wait3A_693 = tpu.memref_slice %arg4[%dma_wait3A_691, %dma_wait3A_692] : memref<819200x32xf32, #tpu.memory_space<hbm>> -> memref<200x32xf32, #tpu.memory_space<hbm>>
      %dma_wait3A_694 = arith.constant 0 : i32
      %dma_wait3A_695 = arith.constant 0 : i32
      %dma_wait3A_696 = tpu.memref_slice %arg6[%dma_wait3A_683, %dma_wait3A_694, %dma_wait3A_695] : memref<8x200x32xf32, #tpu.memory_space<vmem>> -> memref<1x200x32xf32, #tpu.memory_space<vmem>>
      %dma_wait3A_697 = tpu.memref_squeeze %dma_wait3A_696 : memref<1x200x32xf32, #tpu.memory_space<vmem>> -> memref<200x32xf32, #tpu.memory_space<vmem>>
      tpu.wait_dma2 semaphore(%arg19 : memref<!tpu.dma_semaphore, #tpu.memory_space<semaphore_mem>>) src(%dma_wait3A_697 : memref<200x32xf32, #tpu.memory_space<vmem>>) dst(%dma_wait3A_693 : memref<200x32xf32, #tpu.memory_space<hbm>>)
      %add3A_698 = arith.constant 4 : i32
      %add3A_699 = arith.addi %add3A_654, %add3A_698 : i32
      %dma_start3A_700 = arith.constant 3 : i32
      %dma_start3A_701 = arith.constant 0 : i32
      %dma_start3A_702 = arith.constant 0 : i32
      %dma_start3A_703 = tpu.memref_slice %arg6[%dma_start3A_700, %dma_start3A_701, %dma_start3A_702] : memref<8x200x32xf32, #tpu.memory_space<vmem>> -> memref<1x200x32xf32, #tpu.memory_space<vmem>>
      %dma_start3A_704 = tpu.memref_squeeze %dma_start3A_703 : memref<1x200x32xf32, #tpu.memory_space<vmem>> -> memref<200x32xf32, #tpu.memory_space<vmem>>
      %dma_start3A_705 = arith.constant 0 : i32
      %dma_start3A_706 = tpu.memref_slice %arg5[%add3A_699, %dma_start3A_705] : memref<128x200xi32, #tpu.memory_space<vmem>> -> memref<1x200xi32, #tpu.memory_space<vmem>>
      %dma_start3A_707 = tpu.memref_squeeze %dma_start3A_706 : memref<1x200xi32, #tpu.memory_space<vmem>> -> memref<200xi32, #tpu.memory_space<vmem>>
      %dma_start3A_708 = arith.constant 0 : i32
      %dma_start3A_709 = arith.constant 0 : i32
      %dma_start3A_710 = tpu.memref_slice %arg3[%dma_start3A_708, %dma_start3A_709] : memref<1000000x32xf32, #tpu.memory_space<hbm>> -> memref<1000000x32xf32, #tpu.memory_space<hbm>>
      tpu.enqueue_indirect_dma source(%dma_start3A_710 : memref<1000000x32xf32, #tpu.memory_space<hbm>>) target(%dma_start3A_704 : memref<200x32xf32, #tpu.memory_space<vmem>>) offsets(%dma_start3A_707 : memref<200xi32, #tpu.memory_space<vmem>>) semaphore(%arg11 : memref<!tpu.dma_semaphore, #tpu.memory_space<semaphore_mem>>)
      %mul3A_711 = arith.constant 8 : i32
      %mul3A_712 = arith.muli %mul3A_711, %scan3A_462 : i32
      %add3A_713 = arith.constant 4 : i32
      %add3A_714 = arith.addi %add3A_713, %mul3A_712 : i32
      %add3A_715 = arith.constant 4 : i32
      %add3A_716 = arith.addi %add3A_714, %add3A_715 : i32
      %dma_wait3A_717 = arith.constant 0 : i32
      %dma_wait3A_718 = arith.constant 0 : i32
      %dma_wait3A_719 = arith.constant 0 : i32
      %dma_wait3A_720 = arith.constant 0 : i32
      %dma_wait3A_721 = tpu.memref_slice %arg6[%dma_wait3A_718, %dma_wait3A_719, %dma_wait3A_720] : memref<8x200x32xf32, #tpu.memory_space<vmem>> -> memref<1x200x32xf32, #tpu.memory_space<vmem>>
      %dma_wait3A_722 = tpu.memref_squeeze %dma_wait3A_721 : memref<1x200x32xf32, #tpu.memory_space<vmem>> -> memref<200x32xf32, #tpu.memory_space<vmem>>
      %dma_wait3A_723 = arith.constant 0 : i32
      %dma_wait3A_724 = tpu.memref_slice %arg5[%dma_wait3A_717, %dma_wait3A_723] : memref<128x200xi32, #tpu.memory_space<vmem>> -> memref<1x200xi32, #tpu.memory_space<vmem>>
      %dma_wait3A_725 = tpu.memref_squeeze %dma_wait3A_724 : memref<1x200xi32, #tpu.memory_space<vmem>> -> memref<200xi32, #tpu.memory_space<vmem>>
      %dma_wait3A_726 = arith.constant 0 : i32
      %dma_wait3A_727 = arith.constant 0 : i32
      %dma_wait3A_728 = tpu.memref_slice %arg3[%dma_wait3A_726, %dma_wait3A_727] : memref<1000000x32xf32, #tpu.memory_space<hbm>> -> memref<1000000x32xf32, #tpu.memory_space<hbm>>
      tpu.wait_indirect_dma semaphore(%arg8 : memref<!tpu.dma_semaphore, #tpu.memory_space<semaphore_mem>>) src(%dma_wait3A_728 : memref<1000000x32xf32, #tpu.memory_space<hbm>>) dst(%dma_wait3A_722 : memref<200x32xf32, #tpu.memory_space<vmem>>)
      %add3A_729 = arith.addi %mul3A_2, %add3A_716 : i32
      %mul3A_730 = arith.constant 200 : i32
      %mul3A_731 = arith.muli %add3A_729, %mul3A_730 : i32
      %dma_start3A_732 = arith.constant 0 : i32
      %dma_start3A_733 = arith.constant 0 : i32
      %dma_start3A_734 = arith.constant 0 : i32
      %dma_start3A_735 = tpu.memref_slice %arg6[%dma_start3A_732, %dma_start3A_733, %dma_start3A_734] : memref<8x200x32xf32, #tpu.memory_space<vmem>> -> memref<1x200x32xf32, #tpu.memory_space<vmem>>
      %dma_start3A_736 = tpu.memref_squeeze %dma_start3A_735 : memref<1x200x32xf32, #tpu.memory_space<vmem>> -> memref<200x32xf32, #tpu.memory_space<vmem>>
      %dma_start3A_737 = arith.constant 0 : i32
      %dma_start3A_738 = tpu.memref_slice %arg4[%mul3A_731, %dma_start3A_737] : memref<819200x32xf32, #tpu.memory_space<hbm>> -> memref<200x32xf32, #tpu.memory_space<hbm>>
      %dma_start3A_739 = arith.constant 0 : i32
      %dma_start3A_740 = tpu.memref_slice %arg4[%mul3A_731, %dma_start3A_739] : memref<819200x32xf32, #tpu.memory_space<hbm>> -> memref<200x32xf32, #tpu.memory_space<hbm>>
      %dma_start3A_741 = arith.constant 0 : i32
      %dma_start3A_742 = arith.constant 0 : i32
      %dma_start3A_743 = tpu.memref_slice %arg6[%dma_start3A_732, %dma_start3A_741, %dma_start3A_742] : memref<8x200x32xf32, #tpu.memory_space<vmem>> -> memref<1x200x32xf32, #tpu.memory_space<vmem>>
      %dma_start3A_744 = tpu.memref_squeeze %dma_start3A_743 : memref<1x200x32xf32, #tpu.memory_space<vmem>> -> memref<200x32xf32, #tpu.memory_space<vmem>>
      tpu.enqueue_dma source(%dma_start3A_744 : memref<200x32xf32, #tpu.memory_space<vmem>>) target(%dma_start3A_740 : memref<200x32xf32, #tpu.memory_space<hbm>>) target_semaphore(%arg16 : memref<!tpu.dma_semaphore, #tpu.memory_space<semaphore_mem>>)
      %dma_wait3A_745 = arith.constant 4 : i32
      %dma_wait3A_746 = arith.constant 0 : i32
      %dma_wait3A_747 = arith.constant 0 : i32
      %dma_wait3A_748 = tpu.memref_slice %arg6[%dma_wait3A_745, %dma_wait3A_746, %dma_wait3A_747] : memref<8x200x32xf32, #tpu.memory_space<vmem>> -> memref<1x200x32xf32, #tpu.memory_space<vmem>>
      %dma_wait3A_749 = tpu.memref_squeeze %dma_wait3A_748 : memref<1x200x32xf32, #tpu.memory_space<vmem>> -> memref<200x32xf32, #tpu.memory_space<vmem>>
      %dma_wait3A_750 = arith.constant 0 : i32
      %dma_wait3A_751 = arith.constant 0 : i32
      %dma_wait3A_752 = tpu.memref_slice %arg4[%dma_wait3A_750, %dma_wait3A_751] : memref<819200x32xf32, #tpu.memory_space<hbm>> -> memref<200x32xf32, #tpu.memory_space<hbm>>
      %dma_wait3A_753 = arith.constant 0 : i32
      %dma_wait3A_754 = arith.constant 0 : i32
      %dma_wait3A_755 = tpu.memref_slice %arg4[%dma_wait3A_753, %dma_wait3A_754] : memref<819200x32xf32, #tpu.memory_space<hbm>> -> memref<200x32xf32, #tpu.memory_space<hbm>>
      %dma_wait3A_756 = arith.constant 0 : i32
      %dma_wait3A_757 = arith.constant 0 : i32
      %dma_wait3A_758 = tpu.memref_slice %arg6[%dma_wait3A_745, %dma_wait3A_756, %dma_wait3A_757] : memref<8x200x32xf32, #tpu.memory_space<vmem>> -> memref<1x200x32xf32, #tpu.memory_space<vmem>>
      %dma_wait3A_759 = tpu.memref_squeeze %dma_wait3A_758 : memref<1x200x32xf32, #tpu.memory_space<vmem>> -> memref<200x32xf32, #tpu.memory_space<vmem>>
      tpu.wait_dma2 semaphore(%arg20 : memref<!tpu.dma_semaphore, #tpu.memory_space<semaphore_mem>>) src(%dma_wait3A_759 : memref<200x32xf32, #tpu.memory_space<vmem>>) dst(%dma_wait3A_755 : memref<200x32xf32, #tpu.memory_space<hbm>>)
      %add3A_760 = arith.constant 4 : i32
      %add3A_761 = arith.addi %add3A_716, %add3A_760 : i32
      %dma_start3A_762 = arith.constant 4 : i32
      %dma_start3A_763 = arith.constant 0 : i32
      %dma_start3A_764 = arith.constant 0 : i32
      %dma_start3A_765 = tpu.memref_slice %arg6[%dma_start3A_762, %dma_start3A_763, %dma_start3A_764] : memref<8x200x32xf32, #tpu.memory_space<vmem>> -> memref<1x200x32xf32, #tpu.memory_space<vmem>>
      %dma_start3A_766 = tpu.memref_squeeze %dma_start3A_765 : memref<1x200x32xf32, #tpu.memory_space<vmem>> -> memref<200x32xf32, #tpu.memory_space<vmem>>
      %dma_start3A_767 = arith.constant 0 : i32
      %dma_start3A_768 = tpu.memref_slice %arg5[%add3A_761, %dma_start3A_767] : memref<128x200xi32, #tpu.memory_space<vmem>> -> memref<1x200xi32, #tpu.memory_space<vmem>>
      %dma_start3A_769 = tpu.memref_squeeze %dma_start3A_768 : memref<1x200xi32, #tpu.memory_space<vmem>> -> memref<200xi32, #tpu.memory_space<vmem>>
      %dma_start3A_770 = arith.constant 0 : i32
      %dma_start3A_771 = arith.constant 0 : i32
      %dma_start3A_772 = tpu.memref_slice %arg3[%dma_start3A_770, %dma_start3A_771] : memref<1000000x32xf32, #tpu.memory_space<hbm>> -> memref<1000000x32xf32, #tpu.memory_space<hbm>>
      tpu.enqueue_indirect_dma source(%dma_start3A_772 : memref<1000000x32xf32, #tpu.memory_space<hbm>>) target(%dma_start3A_766 : memref<200x32xf32, #tpu.memory_space<vmem>>) offsets(%dma_start3A_769 : memref<200xi32, #tpu.memory_space<vmem>>) semaphore(%arg12 : memref<!tpu.dma_semaphore, #tpu.memory_space<semaphore_mem>>)
      %mul3A_773 = arith.constant 8 : i32
      %mul3A_774 = arith.muli %mul3A_773, %scan3A_462 : i32
      %add3A_775 = arith.constant 4 : i32
      %add3A_776 = arith.addi %add3A_775, %mul3A_774 : i32
      %add3A_777 = arith.constant 5 : i32
      %add3A_778 = arith.addi %add3A_776, %add3A_777 : i32
      %dma_wait3A_779 = arith.constant 0 : i32
      %dma_wait3A_780 = arith.constant 1 : i32
      %dma_wait3A_781 = arith.constant 0 : i32
      %dma_wait3A_782 = arith.constant 0 : i32
      %dma_wait3A_783 = tpu.memref_slice %arg6[%dma_wait3A_780, %dma_wait3A_781, %dma_wait3A_782] : memref<8x200x32xf32, #tpu.memory_space<vmem>> -> memref<1x200x32xf32, #tpu.memory_space<vmem>>
      %dma_wait3A_784 = tpu.memref_squeeze %dma_wait3A_783 : memref<1x200x32xf32, #tpu.memory_space<vmem>> -> memref<200x32xf32, #tpu.memory_space<vmem>>
      %dma_wait3A_785 = arith.constant 0 : i32
      %dma_wait3A_786 = tpu.memref_slice %arg5[%dma_wait3A_779, %dma_wait3A_785] : memref<128x200xi32, #tpu.memory_space<vmem>> -> memref<1x200xi32, #tpu.memory_space<vmem>>
      %dma_wait3A_787 = tpu.memref_squeeze %dma_wait3A_786 : memref<1x200xi32, #tpu.memory_space<vmem>> -> memref<200xi32, #tpu.memory_space<vmem>>
      %dma_wait3A_788 = arith.constant 0 : i32
      %dma_wait3A_789 = arith.constant 0 : i32
      %dma_wait3A_790 = tpu.memref_slice %arg3[%dma_wait3A_788, %dma_wait3A_789] : memref<1000000x32xf32, #tpu.memory_space<hbm>> -> memref<1000000x32xf32, #tpu.memory_space<hbm>>
      tpu.wait_indirect_dma semaphore(%arg9 : memref<!tpu.dma_semaphore, #tpu.memory_space<semaphore_mem>>) src(%dma_wait3A_790 : memref<1000000x32xf32, #tpu.memory_space<hbm>>) dst(%dma_wait3A_784 : memref<200x32xf32, #tpu.memory_space<vmem>>)
      %add3A_791 = arith.addi %mul3A_2, %add3A_778 : i32
      %mul3A_792 = arith.constant 200 : i32
      %mul3A_793 = arith.muli %add3A_791, %mul3A_792 : i32
      %dma_start3A_794 = arith.constant 1 : i32
      %dma_start3A_795 = arith.constant 0 : i32
      %dma_start3A_796 = arith.constant 0 : i32
      %dma_start3A_797 = tpu.memref_slice %arg6[%dma_start3A_794, %dma_start3A_795, %dma_start3A_796] : memref<8x200x32xf32, #tpu.memory_space<vmem>> -> memref<1x200x32xf32, #tpu.memory_space<vmem>>
      %dma_start3A_798 = tpu.memref_squeeze %dma_start3A_797 : memref<1x200x32xf32, #tpu.memory_space<vmem>> -> memref<200x32xf32, #tpu.memory_space<vmem>>
      %dma_start3A_799 = arith.constant 0 : i32
      %dma_start3A_800 = tpu.memref_slice %arg4[%mul3A_793, %dma_start3A_799] : memref<819200x32xf32, #tpu.memory_space<hbm>> -> memref<200x32xf32, #tpu.memory_space<hbm>>
      %dma_start3A_801 = arith.constant 0 : i32
      %dma_start3A_802 = tpu.memref_slice %arg4[%mul3A_793, %dma_start3A_801] : memref<819200x32xf32, #tpu.memory_space<hbm>> -> memref<200x32xf32, #tpu.memory_space<hbm>>
      %dma_start3A_803 = arith.constant 0 : i32
      %dma_start3A_804 = arith.constant 0 : i32
      %dma_start3A_805 = tpu.memref_slice %arg6[%dma_start3A_794, %dma_start3A_803, %dma_start3A_804] : memref<8x200x32xf32, #tpu.memory_space<vmem>> -> memref<1x200x32xf32, #tpu.memory_space<vmem>>
      %dma_start3A_806 = tpu.memref_squeeze %dma_start3A_805 : memref<1x200x32xf32, #tpu.memory_space<vmem>> -> memref<200x32xf32, #tpu.memory_space<vmem>>
      tpu.enqueue_dma source(%dma_start3A_806 : memref<200x32xf32, #tpu.memory_space<vmem>>) target(%dma_start3A_802 : memref<200x32xf32, #tpu.memory_space<hbm>>) target_semaphore(%arg17 : memref<!tpu.dma_semaphore, #tpu.memory_space<semaphore_mem>>)
      %dma_wait3A_807 = arith.constant 5 : i32
      %dma_wait3A_808 = arith.constant 0 : i32
      %dma_wait3A_809 = arith.constant 0 : i32
      %dma_wait3A_810 = tpu.memref_slice %arg6[%dma_wait3A_807, %dma_wait3A_808, %dma_wait3A_809] : memref<8x200x32xf32, #tpu.memory_space<vmem>> -> memref<1x200x32xf32, #tpu.memory_space<vmem>>
      %dma_wait3A_811 = tpu.memref_squeeze %dma_wait3A_810 : memref<1x200x32xf32, #tpu.memory_space<vmem>> -> memref<200x32xf32, #tpu.memory_space<vmem>>
      %dma_wait3A_812 = arith.constant 0 : i32
      %dma_wait3A_813 = arith.constant 0 : i32
      %dma_wait3A_814 = tpu.memref_slice %arg4[%dma_wait3A_812, %dma_wait3A_813] : memref<819200x32xf32, #tpu.memory_space<hbm>> -> memref<200x32xf32, #tpu.memory_space<hbm>>
      %dma_wait3A_815 = arith.constant 0 : i32
      %dma_wait3A_816 = arith.constant 0 : i32
      %dma_wait3A_817 = tpu.memref_slice %arg4[%dma_wait3A_815, %dma_wait3A_816] : memref<819200x32xf32, #tpu.memory_space<hbm>> -> memref<200x32xf32, #tpu.memory_space<hbm>>
      %dma_wait3A_818 = arith.constant 0 : i32
      %dma_wait3A_819 = arith.constant 0 : i32
      %dma_wait3A_820 = tpu.memref_slice %arg6[%dma_wait3A_807, %dma_wait3A_818, %dma_wait3A_819] : memref<8x200x32xf32, #tpu.memory_space<vmem>> -> memref<1x200x32xf32, #tpu.memory_space<vmem>>
      %dma_wait3A_821 = tpu.memref_squeeze %dma_wait3A_820 : memref<1x200x32xf32, #tpu.memory_space<vmem>> -> memref<200x32xf32, #tpu.memory_space<vmem>>
      tpu.wait_dma2 semaphore(%arg21 : memref<!tpu.dma_semaphore, #tpu.memory_space<semaphore_mem>>) src(%dma_wait3A_821 : memref<200x32xf32, #tpu.memory_space<vmem>>) dst(%dma_wait3A_817 : memref<200x32xf32, #tpu.memory_space<hbm>>)
      %add3A_822 = arith.constant 4 : i32
      %add3A_823 = arith.addi %add3A_778, %add3A_822 : i32
      %dma_start3A_824 = arith.constant 5 : i32
      %dma_start3A_825 = arith.constant 0 : i32
      %dma_start3A_826 = arith.constant 0 : i32
      %dma_start3A_827 = tpu.memref_slice %arg6[%dma_start3A_824, %dma_start3A_825, %dma_start3A_826] : memref<8x200x32xf32, #tpu.memory_space<vmem>> -> memref<1x200x32xf32, #tpu.memory_space<vmem>>
      %dma_start3A_828 = tpu.memref_squeeze %dma_start3A_827 : memref<1x200x32xf32, #tpu.memory_space<vmem>> -> memref<200x32xf32, #tpu.memory_space<vmem>>
      %dma_start3A_829 = arith.constant 0 : i32
      %dma_start3A_830 = tpu.memref_slice %arg5[%add3A_823, %dma_start3A_829] : memref<128x200xi32, #tpu.memory_space<vmem>> -> memref<1x200xi32, #tpu.memory_space<vmem>>
      %dma_start3A_831 = tpu.memref_squeeze %dma_start3A_830 : memref<1x200xi32, #tpu.memory_space<vmem>> -> memref<200xi32, #tpu.memory_space<vmem>>
      %dma_start3A_832 = arith.constant 0 : i32
      %dma_start3A_833 = arith.constant 0 : i32
      %dma_start3A_834 = tpu.memref_slice %arg3[%dma_start3A_832, %dma_start3A_833] : memref<1000000x32xf32, #tpu.memory_space<hbm>> -> memref<1000000x32xf32, #tpu.memory_space<hbm>>
      tpu.enqueue_indirect_dma source(%dma_start3A_834 : memref<1000000x32xf32, #tpu.memory_space<hbm>>) target(%dma_start3A_828 : memref<200x32xf32, #tpu.memory_space<vmem>>) offsets(%dma_start3A_831 : memref<200xi32, #tpu.memory_space<vmem>>) semaphore(%arg13 : memref<!tpu.dma_semaphore, #tpu.memory_space<semaphore_mem>>)
      %mul3A_835 = arith.constant 8 : i32
      %mul3A_836 = arith.muli %mul3A_835, %scan3A_462 : i32
      %add3A_837 = arith.constant 4 : i32
      %add3A_838 = arith.addi %add3A_837, %mul3A_836 : i32
      %add3A_839 = arith.constant 6 : i32
      %add3A_840 = arith.addi %add3A_838, %add3A_839 : i32
      %dma_wait3A_841 = arith.constant 0 : i32
      %dma_wait3A_842 = arith.constant 2 : i32
      %dma_wait3A_843 = arith.constant 0 : i32
      %dma_wait3A_844 = arith.constant 0 : i32
      %dma_wait3A_845 = tpu.memref_slice %arg6[%dma_wait3A_842, %dma_wait3A_843, %dma_wait3A_844] : memref<8x200x32xf32, #tpu.memory_space<vmem>> -> memref<1x200x32xf32, #tpu.memory_space<vmem>>
      %dma_wait3A_846 = tpu.memref_squeeze %dma_wait3A_845 : memref<1x200x32xf32, #tpu.memory_space<vmem>> -> memref<200x32xf32, #tpu.memory_space<vmem>>
      %dma_wait3A_847 = arith.constant 0 : i32
      %dma_wait3A_848 = tpu.memref_slice %arg5[%dma_wait3A_841, %dma_wait3A_847] : memref<128x200xi32, #tpu.memory_space<vmem>> -> memref<1x200xi32, #tpu.memory_space<vmem>>
      %dma_wait3A_849 = tpu.memref_squeeze %dma_wait3A_848 : memref<1x200xi32, #tpu.memory_space<vmem>> -> memref<200xi32, #tpu.memory_space<vmem>>
      %dma_wait3A_850 = arith.constant 0 : i32
      %dma_wait3A_851 = arith.constant 0 : i32
      %dma_wait3A_852 = tpu.memref_slice %arg3[%dma_wait3A_850, %dma_wait3A_851] : memref<1000000x32xf32, #tpu.memory_space<hbm>> -> memref<1000000x32xf32, #tpu.memory_space<hbm>>
      tpu.wait_indirect_dma semaphore(%arg10 : memref<!tpu.dma_semaphore, #tpu.memory_space<semaphore_mem>>) src(%dma_wait3A_852 : memref<1000000x32xf32, #tpu.memory_space<hbm>>) dst(%dma_wait3A_846 : memref<200x32xf32, #tpu.memory_space<vmem>>)
      %add3A_853 = arith.addi %mul3A_2, %add3A_840 : i32
      %mul3A_854 = arith.constant 200 : i32
      %mul3A_855 = arith.muli %add3A_853, %mul3A_854 : i32
      %dma_start3A_856 = arith.constant 2 : i32
      %dma_start3A_857 = arith.constant 0 : i32
      %dma_start3A_858 = arith.constant 0 : i32
      %dma_start3A_859 = tpu.memref_slice %arg6[%dma_start3A_856, %dma_start3A_857, %dma_start3A_858] : memref<8x200x32xf32, #tpu.memory_space<vmem>> -> memref<1x200x32xf32, #tpu.memory_space<vmem>>
      %dma_start3A_860 = tpu.memref_squeeze %dma_start3A_859 : memref<1x200x32xf32, #tpu.memory_space<vmem>> -> memref<200x32xf32, #tpu.memory_space<vmem>>
      %dma_start3A_861 = arith.constant 0 : i32
      %dma_start3A_862 = tpu.memref_slice %arg4[%mul3A_855, %dma_start3A_861] : memref<819200x32xf32, #tpu.memory_space<hbm>> -> memref<200x32xf32, #tpu.memory_space<hbm>>
      %dma_start3A_863 = arith.constant 0 : i32
      %dma_start3A_864 = tpu.memref_slice %arg4[%mul3A_855, %dma_start3A_863] : memref<819200x32xf32, #tpu.memory_space<hbm>> -> memref<200x32xf32, #tpu.memory_space<hbm>>
      %dma_start3A_865 = arith.constant 0 : i32
      %dma_start3A_866 = arith.constant 0 : i32
      %dma_start3A_867 = tpu.memref_slice %arg6[%dma_start3A_856, %dma_start3A_865, %dma_start3A_866] : memref<8x200x32xf32, #tpu.memory_space<vmem>> -> memref<1x200x32xf32, #tpu.memory_space<vmem>>
      %dma_start3A_868 = tpu.memref_squeeze %dma_start3A_867 : memref<1x200x32xf32, #tpu.memory_space<vmem>> -> memref<200x32xf32, #tpu.memory_space<vmem>>
      tpu.enqueue_dma source(%dma_start3A_868 : memref<200x32xf32, #tpu.memory_space<vmem>>) target(%dma_start3A_864 : memref<200x32xf32, #tpu.memory_space<hbm>>) target_semaphore(%arg18 : memref<!tpu.dma_semaphore, #tpu.memory_space<semaphore_mem>>)
      %dma_wait3A_869 = arith.constant 6 : i32
      %dma_wait3A_870 = arith.constant 0 : i32
      %dma_wait3A_871 = arith.constant 0 : i32
      %dma_wait3A_872 = tpu.memref_slice %arg6[%dma_wait3A_869, %dma_wait3A_870, %dma_wait3A_871] : memref<8x200x32xf32, #tpu.memory_space<vmem>> -> memref<1x200x32xf32, #tpu.memory_space<vmem>>
      %dma_wait3A_873 = tpu.memref_squeeze %dma_wait3A_872 : memref<1x200x32xf32, #tpu.memory_space<vmem>> -> memref<200x32xf32, #tpu.memory_space<vmem>>
      %dma_wait3A_874 = arith.constant 0 : i32
      %dma_wait3A_875 = arith.constant 0 : i32
      %dma_wait3A_876 = tpu.memref_slice %arg4[%dma_wait3A_874, %dma_wait3A_875] : memref<819200x32xf32, #tpu.memory_space<hbm>> -> memref<200x32xf32, #tpu.memory_space<hbm>>
      %dma_wait3A_877 = arith.constant 0 : i32
      %dma_wait3A_878 = arith.constant 0 : i32
      %dma_wait3A_879 = tpu.memref_slice %arg4[%dma_wait3A_877, %dma_wait3A_878] : memref<819200x32xf32, #tpu.memory_space<hbm>> -> memref<200x32xf32, #tpu.memory_space<hbm>>
      %dma_wait3A_880 = arith.constant 0 : i32
      %dma_wait3A_881 = arith.constant 0 : i32
      %dma_wait3A_882 = tpu.memref_slice %arg6[%dma_wait3A_869, %dma_wait3A_880, %dma_wait3A_881] : memref<8x200x32xf32, #tpu.memory_space<vmem>> -> memref<1x200x32xf32, #tpu.memory_space<vmem>>
      %dma_wait3A_883 = tpu.memref_squeeze %dma_wait3A_882 : memref<1x200x32xf32, #tpu.memory_space<vmem>> -> memref<200x32xf32, #tpu.memory_space<vmem>>
      tpu.wait_dma2 semaphore(%arg22 : memref<!tpu.dma_semaphore, #tpu.memory_space<semaphore_mem>>) src(%dma_wait3A_883 : memref<200x32xf32, #tpu.memory_space<vmem>>) dst(%dma_wait3A_879 : memref<200x32xf32, #tpu.memory_space<hbm>>)
      %add3A_884 = arith.constant 4 : i32
      %add3A_885 = arith.addi %add3A_840, %add3A_884 : i32
      %dma_start3A_886 = arith.constant 6 : i32
      %dma_start3A_887 = arith.constant 0 : i32
      %dma_start3A_888 = arith.constant 0 : i32
      %dma_start3A_889 = tpu.memref_slice %arg6[%dma_start3A_886, %dma_start3A_887, %dma_start3A_888] : memref<8x200x32xf32, #tpu.memory_space<vmem>> -> memref<1x200x32xf32, #tpu.memory_space<vmem>>
      %dma_start3A_890 = tpu.memref_squeeze %dma_start3A_889 : memref<1x200x32xf32, #tpu.memory_space<vmem>> -> memref<200x32xf32, #tpu.memory_space<vmem>>
      %dma_start3A_891 = arith.constant 0 : i32
      %dma_start3A_892 = tpu.memref_slice %arg5[%add3A_885, %dma_start3A_891] : memref<128x200xi32, #tpu.memory_space<vmem>> -> memref<1x200xi32, #tpu.memory_space<vmem>>
      %dma_start3A_893 = tpu.memref_squeeze %dma_start3A_892 : memref<1x200xi32, #tpu.memory_space<vmem>> -> memref<200xi32, #tpu.memory_space<vmem>>
      %dma_start3A_894 = arith.constant 0 : i32
      %dma_start3A_895 = arith.constant 0 : i32
      %dma_start3A_896 = tpu.memref_slice %arg3[%dma_start3A_894, %dma_start3A_895] : memref<1000000x32xf32, #tpu.memory_space<hbm>> -> memref<1000000x32xf32, #tpu.memory_space<hbm>>
      tpu.enqueue_indirect_dma source(%dma_start3A_896 : memref<1000000x32xf32, #tpu.memory_space<hbm>>) target(%dma_start3A_890 : memref<200x32xf32, #tpu.memory_space<vmem>>) offsets(%dma_start3A_893 : memref<200xi32, #tpu.memory_space<vmem>>) semaphore(%arg14 : memref<!tpu.dma_semaphore, #tpu.memory_space<semaphore_mem>>)
      %mul3A_897 = arith.constant 8 : i32
      %mul3A_898 = arith.muli %mul3A_897, %scan3A_462 : i32
      %add3A_899 = arith.constant 4 : i32
      %add3A_900 = arith.addi %add3A_899, %mul3A_898 : i32
      %add3A_901 = arith.constant 7 : i32
      %add3A_902 = arith.addi %add3A_900, %add3A_901 : i32
      %dma_wait3A_903 = arith.constant 0 : i32
      %dma_wait3A_904 = arith.constant 3 : i32
      %dma_wait3A_905 = arith.constant 0 : i32
      %dma_wait3A_906 = arith.constant 0 : i32
      %dma_wait3A_907 = tpu.memref_slice %arg6[%dma_wait3A_904, %dma_wait3A_905, %dma_wait3A_906] : memref<8x200x32xf32, #tpu.memory_space<vmem>> -> memref<1x200x32xf32, #tpu.memory_space<vmem>>
      %dma_wait3A_908 = tpu.memref_squeeze %dma_wait3A_907 : memref<1x200x32xf32, #tpu.memory_space<vmem>> -> memref<200x32xf32, #tpu.memory_space<vmem>>
      %dma_wait3A_909 = arith.constant 0 : i32
      %dma_wait3A_910 = tpu.memref_slice %arg5[%dma_wait3A_903, %dma_wait3A_909] : memref<128x200xi32, #tpu.memory_space<vmem>> -> memref<1x200xi32, #tpu.memory_space<vmem>>
      %dma_wait3A_911 = tpu.memref_squeeze %dma_wait3A_910 : memref<1x200xi32, #tpu.memory_space<vmem>> -> memref<200xi32, #tpu.memory_space<vmem>>
      %dma_wait3A_912 = arith.constant 0 : i32
      %dma_wait3A_913 = arith.constant 0 : i32
      %dma_wait3A_914 = tpu.memref_slice %arg3[%dma_wait3A_912, %dma_wait3A_913] : memref<1000000x32xf32, #tpu.memory_space<hbm>> -> memref<1000000x32xf32, #tpu.memory_space<hbm>>
      tpu.wait_indirect_dma semaphore(%arg11 : memref<!tpu.dma_semaphore, #tpu.memory_space<semaphore_mem>>) src(%dma_wait3A_914 : memref<1000000x32xf32, #tpu.memory_space<hbm>>) dst(%dma_wait3A_908 : memref<200x32xf32, #tpu.memory_space<vmem>>)
      %add3A_915 = arith.addi %mul3A_2, %add3A_902 : i32
      %mul3A_916 = arith.constant 200 : i32
      %mul3A_917 = arith.muli %add3A_915, %mul3A_916 : i32
      %dma_start3A_918 = arith.constant 3 : i32
      %dma_start3A_919 = arith.constant 0 : i32
      %dma_start3A_920 = arith.constant 0 : i32
      %dma_start3A_921 = tpu.memref_slice %arg6[%dma_start3A_918, %dma_start3A_919, %dma_start3A_920] : memref<8x200x32xf32, #tpu.memory_space<vmem>> -> memref<1x200x32xf32, #tpu.memory_space<vmem>>
      %dma_start3A_922 = tpu.memref_squeeze %dma_start3A_921 : memref<1x200x32xf32, #tpu.memory_space<vmem>> -> memref<200x32xf32, #tpu.memory_space<vmem>>
      %dma_start3A_923 = arith.constant 0 : i32
      %dma_start3A_924 = tpu.memref_slice %arg4[%mul3A_917, %dma_start3A_923] : memref<819200x32xf32, #tpu.memory_space<hbm>> -> memref<200x32xf32, #tpu.memory_space<hbm>>
      %dma_start3A_925 = arith.constant 0 : i32
      %dma_start3A_926 = tpu.memref_slice %arg4[%mul3A_917, %dma_start3A_925] : memref<819200x32xf32, #tpu.memory_space<hbm>> -> memref<200x32xf32, #tpu.memory_space<hbm>>
      %dma_start3A_927 = arith.constant 0 : i32
      %dma_start3A_928 = arith.constant 0 : i32
      %dma_start3A_929 = tpu.memref_slice %arg6[%dma_start3A_918, %dma_start3A_927, %dma_start3A_928] : memref<8x200x32xf32, #tpu.memory_space<vmem>> -> memref<1x200x32xf32, #tpu.memory_space<vmem>>
      %dma_start3A_930 = tpu.memref_squeeze %dma_start3A_929 : memref<1x200x32xf32, #tpu.memory_space<vmem>> -> memref<200x32xf32, #tpu.memory_space<vmem>>
      tpu.enqueue_dma source(%dma_start3A_930 : memref<200x32xf32, #tpu.memory_space<vmem>>) target(%dma_start3A_926 : memref<200x32xf32, #tpu.memory_space<hbm>>) target_semaphore(%arg19 : memref<!tpu.dma_semaphore, #tpu.memory_space<semaphore_mem>>)
      %dma_wait3A_931 = arith.constant 7 : i32
      %dma_wait3A_932 = arith.constant 0 : i32
      %dma_wait3A_933 = arith.constant 0 : i32
      %dma_wait3A_934 = tpu.memref_slice %arg6[%dma_wait3A_931, %dma_wait3A_932, %dma_wait3A_933] : memref<8x200x32xf32, #tpu.memory_space<vmem>> -> memref<1x200x32xf32, #tpu.memory_space<vmem>>
      %dma_wait3A_935 = tpu.memref_squeeze %dma_wait3A_934 : memref<1x200x32xf32, #tpu.memory_space<vmem>> -> memref<200x32xf32, #tpu.memory_space<vmem>>
      %dma_wait3A_936 = arith.constant 0 : i32
      %dma_wait3A_937 = arith.constant 0 : i32
      %dma_wait3A_938 = tpu.memref_slice %arg4[%dma_wait3A_936, %dma_wait3A_937] : memref<819200x32xf32, #tpu.memory_space<hbm>> -> memref<200x32xf32, #tpu.memory_space<hbm>>
      %dma_wait3A_939 = arith.constant 0 : i32
      %dma_wait3A_940 = arith.constant 0 : i32
      %dma_wait3A_941 = tpu.memref_slice %arg4[%dma_wait3A_939, %dma_wait3A_940] : memref<819200x32xf32, #tpu.memory_space<hbm>> -> memref<200x32xf32, #tpu.memory_space<hbm>>
      %dma_wait3A_942 = arith.constant 0 : i32
      %dma_wait3A_943 = arith.constant 0 : i32
      %dma_wait3A_944 = tpu.memref_slice %arg6[%dma_wait3A_931, %dma_wait3A_942, %dma_wait3A_943] : memref<8x200x32xf32, #tpu.memory_space<vmem>> -> memref<1x200x32xf32, #tpu.memory_space<vmem>>
      %dma_wait3A_945 = tpu.memref_squeeze %dma_wait3A_944 : memref<1x200x32xf32, #tpu.memory_space<vmem>> -> memref<200x32xf32, #tpu.memory_space<vmem>>
      tpu.wait_dma2 semaphore(%arg23 : memref<!tpu.dma_semaphore, #tpu.memory_space<semaphore_mem>>) src(%dma_wait3A_945 : memref<200x32xf32, #tpu.memory_space<vmem>>) dst(%dma_wait3A_941 : memref<200x32xf32, #tpu.memory_space<hbm>>)
      %add3A_946 = arith.constant 4 : i32
      %add3A_947 = arith.addi %add3A_902, %add3A_946 : i32
      %dma_start3A_948 = arith.constant 7 : i32
      %dma_start3A_949 = arith.constant 0 : i32
      %dma_start3A_950 = arith.constant 0 : i32
      %dma_start3A_951 = tpu.memref_slice %arg6[%dma_start3A_948, %dma_start3A_949, %dma_start3A_950] : memref<8x200x32xf32, #tpu.memory_space<vmem>> -> memref<1x200x32xf32, #tpu.memory_space<vmem>>
      %dma_start3A_952 = tpu.memref_squeeze %dma_start3A_951 : memref<1x200x32xf32, #tpu.memory_space<vmem>> -> memref<200x32xf32, #tpu.memory_space<vmem>>
      %dma_start3A_953 = arith.constant 0 : i32
      %dma_start3A_954 = tpu.memref_slice %arg5[%add3A_947, %dma_start3A_953] : memref<128x200xi32, #tpu.memory_space<vmem>> -> memref<1x200xi32, #tpu.memory_space<vmem>>
      %dma_start3A_955 = tpu.memref_squeeze %dma_start3A_954 : memref<1x200xi32, #tpu.memory_space<vmem>> -> memref<200xi32, #tpu.memory_space<vmem>>
      %dma_start3A_956 = arith.constant 0 : i32
      %dma_start3A_957 = arith.constant 0 : i32
      %dma_start3A_958 = tpu.memref_slice %arg3[%dma_start3A_956, %dma_start3A_957] : memref<1000000x32xf32, #tpu.memory_space<hbm>> -> memref<1000000x32xf32, #tpu.memory_space<hbm>>
      tpu.enqueue_indirect_dma source(%dma_start3A_958 : memref<1000000x32xf32, #tpu.memory_space<hbm>>) target(%dma_start3A_952 : memref<200x32xf32, #tpu.memory_space<vmem>>) offsets(%dma_start3A_955 : memref<200xi32, #tpu.memory_space<vmem>>) semaphore(%arg15 : memref<!tpu.dma_semaphore, #tpu.memory_space<semaphore_mem>>)
    }
    %scan3A_225 = arith.constant 15 : i32
    %dma_wait3A_226 = arith.constant 0 : i32
    %dma_wait3A_227 = arith.constant 4 : i32
    %dma_wait3A_228 = arith.constant 0 : i32
    %dma_wait3A_229 = arith.constant 0 : i32
    %dma_wait3A_230 = tpu.memref_slice %arg6[%dma_wait3A_227, %dma_wait3A_228, %dma_wait3A_229] : memref<8x200x32xf32, #tpu.memory_space<vmem>> -> memref<1x200x32xf32, #tpu.memory_space<vmem>>
    %dma_wait3A_231 = tpu.memref_squeeze %dma_wait3A_230 : memref<1x200x32xf32, #tpu.memory_space<vmem>> -> memref<200x32xf32, #tpu.memory_space<vmem>>
    %dma_wait3A_232 = arith.constant 0 : i32
    %dma_wait3A_233 = tpu.memref_slice %arg5[%dma_wait3A_226, %dma_wait3A_232] : memref<128x200xi32, #tpu.memory_space<vmem>> -> memref<1x200xi32, #tpu.memory_space<vmem>>
    %dma_wait3A_234 = tpu.memref_squeeze %dma_wait3A_233 : memref<1x200xi32, #tpu.memory_space<vmem>> -> memref<200xi32, #tpu.memory_space<vmem>>
    %dma_wait3A_235 = arith.constant 0 : i32
    %dma_wait3A_236 = arith.constant 0 : i32
    %dma_wait3A_237 = tpu.memref_slice %arg3[%dma_wait3A_235, %dma_wait3A_236] : memref<1000000x32xf32, #tpu.memory_space<hbm>> -> memref<1000000x32xf32, #tpu.memory_space<hbm>>
    tpu.wait_indirect_dma semaphore(%arg12 : memref<!tpu.dma_semaphore, #tpu.memory_space<semaphore_mem>>) src(%dma_wait3A_237 : memref<1000000x32xf32, #tpu.memory_space<hbm>>) dst(%dma_wait3A_231 : memref<200x32xf32, #tpu.memory_space<vmem>>)
    %add3A_238 = arith.constant 124 : i32
    %add3A_239 = arith.addi %mul3A_2, %add3A_238 : i32
    %mul3A_240 = arith.constant 200 : i32
    %mul3A_241 = arith.muli %add3A_239, %mul3A_240 : i32
    %dma_start3A_242 = arith.constant 4 : i32
    %dma_start3A_243 = arith.constant 0 : i32
    %dma_start3A_244 = arith.constant 0 : i32
    %dma_start3A_245 = tpu.memref_slice %arg6[%dma_start3A_242, %dma_start3A_243, %dma_start3A_244] : memref<8x200x32xf32, #tpu.memory_space<vmem>> -> memref<1x200x32xf32, #tpu.memory_space<vmem>>
    %dma_start3A_246 = tpu.memref_squeeze %dma_start3A_245 : memref<1x200x32xf32, #tpu.memory_space<vmem>> -> memref<200x32xf32, #tpu.memory_space<vmem>>
    %dma_start3A_247 = arith.constant 0 : i32
    %dma_start3A_248 = tpu.memref_slice %arg4[%mul3A_241, %dma_start3A_247] : memref<819200x32xf32, #tpu.memory_space<hbm>> -> memref<200x32xf32, #tpu.memory_space<hbm>>
    %dma_start3A_249 = arith.constant 0 : i32
    %dma_start3A_250 = tpu.memref_slice %arg4[%mul3A_241, %dma_start3A_249] : memref<819200x32xf32, #tpu.memory_space<hbm>> -> memref<200x32xf32, #tpu.memory_space<hbm>>
    %dma_start3A_251 = arith.constant 0 : i32
    %dma_start3A_252 = arith.constant 0 : i32
    %dma_start3A_253 = tpu.memref_slice %arg6[%dma_start3A_242, %dma_start3A_251, %dma_start3A_252] : memref<8x200x32xf32, #tpu.memory_space<vmem>> -> memref<1x200x32xf32, #tpu.memory_space<vmem>>
    %dma_start3A_254 = tpu.memref_squeeze %dma_start3A_253 : memref<1x200x32xf32, #tpu.memory_space<vmem>> -> memref<200x32xf32, #tpu.memory_space<vmem>>
    tpu.enqueue_dma source(%dma_start3A_254 : memref<200x32xf32, #tpu.memory_space<vmem>>) target(%dma_start3A_250 : memref<200x32xf32, #tpu.memory_space<hbm>>) target_semaphore(%arg20 : memref<!tpu.dma_semaphore, #tpu.memory_space<semaphore_mem>>)
    %dma_wait3A_255 = arith.constant 0 : i32
    %dma_wait3A_256 = arith.constant 5 : i32
    %dma_wait3A_257 = arith.constant 0 : i32
    %dma_wait3A_258 = arith.constant 0 : i32
    %dma_wait3A_259 = tpu.memref_slice %arg6[%dma_wait3A_256, %dma_wait3A_257, %dma_wait3A_258] : memref<8x200x32xf32, #tpu.memory_space<vmem>> -> memref<1x200x32xf32, #tpu.memory_space<vmem>>
    %dma_wait3A_260 = tpu.memref_squeeze %dma_wait3A_259 : memref<1x200x32xf32, #tpu.memory_space<vmem>> -> memref<200x32xf32, #tpu.memory_space<vmem>>
    %dma_wait3A_261 = arith.constant 0 : i32
    %dma_wait3A_262 = tpu.memref_slice %arg5[%dma_wait3A_255, %dma_wait3A_261] : memref<128x200xi32, #tpu.memory_space<vmem>> -> memref<1x200xi32, #tpu.memory_space<vmem>>
    %dma_wait3A_263 = tpu.memref_squeeze %dma_wait3A_262 : memref<1x200xi32, #tpu.memory_space<vmem>> -> memref<200xi32, #tpu.memory_space<vmem>>
    %dma_wait3A_264 = arith.constant 0 : i32
    %dma_wait3A_265 = arith.constant 0 : i32
    %dma_wait3A_266 = tpu.memref_slice %arg3[%dma_wait3A_264, %dma_wait3A_265] : memref<1000000x32xf32, #tpu.memory_space<hbm>> -> memref<1000000x32xf32, #tpu.memory_space<hbm>>
    tpu.wait_indirect_dma semaphore(%arg13 : memref<!tpu.dma_semaphore, #tpu.memory_space<semaphore_mem>>) src(%dma_wait3A_266 : memref<1000000x32xf32, #tpu.memory_space<hbm>>) dst(%dma_wait3A_260 : memref<200x32xf32, #tpu.memory_space<vmem>>)
    %add3A_267 = arith.constant 125 : i32
    %add3A_268 = arith.addi %mul3A_2, %add3A_267 : i32
    %mul3A_269 = arith.constant 200 : i32
    %mul3A_270 = arith.muli %add3A_268, %mul3A_269 : i32
    %dma_start3A_271 = arith.constant 5 : i32
    %dma_start3A_272 = arith.constant 0 : i32
    %dma_start3A_273 = arith.constant 0 : i32
    %dma_start3A_274 = tpu.memref_slice %arg6[%dma_start3A_271, %dma_start3A_272, %dma_start3A_273] : memref<8x200x32xf32, #tpu.memory_space<vmem>> -> memref<1x200x32xf32, #tpu.memory_space<vmem>>
    %dma_start3A_275 = tpu.memref_squeeze %dma_start3A_274 : memref<1x200x32xf32, #tpu.memory_space<vmem>> -> memref<200x32xf32, #tpu.memory_space<vmem>>
    %dma_start3A_276 = arith.constant 0 : i32
    %dma_start3A_277 = tpu.memref_slice %arg4[%mul3A_270, %dma_start3A_276] : memref<819200x32xf32, #tpu.memory_space<hbm>> -> memref<200x32xf32, #tpu.memory_space<hbm>>
    %dma_start3A_278 = arith.constant 0 : i32
    %dma_start3A_279 = tpu.memref_slice %arg4[%mul3A_270, %dma_start3A_278] : memref<819200x32xf32, #tpu.memory_space<hbm>> -> memref<200x32xf32, #tpu.memory_space<hbm>>
    %dma_start3A_280 = arith.constant 0 : i32
    %dma_start3A_281 = arith.constant 0 : i32
    %dma_start3A_282 = tpu.memref_slice %arg6[%dma_start3A_271, %dma_start3A_280, %dma_start3A_281] : memref<8x200x32xf32, #tpu.memory_space<vmem>> -> memref<1x200x32xf32, #tpu.memory_space<vmem>>
    %dma_start3A_283 = tpu.memref_squeeze %dma_start3A_282 : memref<1x200x32xf32, #tpu.memory_space<vmem>> -> memref<200x32xf32, #tpu.memory_space<vmem>>
    tpu.enqueue_dma source(%dma_start3A_283 : memref<200x32xf32, #tpu.memory_space<vmem>>) target(%dma_start3A_279 : memref<200x32xf32, #tpu.memory_space<hbm>>) target_semaphore(%arg21 : memref<!tpu.dma_semaphore, #tpu.memory_space<semaphore_mem>>)
    %dma_wait3A_284 = arith.constant 0 : i32
    %dma_wait3A_285 = arith.constant 6 : i32
    %dma_wait3A_286 = arith.constant 0 : i32
    %dma_wait3A_287 = arith.constant 0 : i32
    %dma_wait3A_288 = tpu.memref_slice %arg6[%dma_wait3A_285, %dma_wait3A_286, %dma_wait3A_287] : memref<8x200x32xf32, #tpu.memory_space<vmem>> -> memref<1x200x32xf32, #tpu.memory_space<vmem>>
    %dma_wait3A_289 = tpu.memref_squeeze %dma_wait3A_288 : memref<1x200x32xf32, #tpu.memory_space<vmem>> -> memref<200x32xf32, #tpu.memory_space<vmem>>
    %dma_wait3A_290 = arith.constant 0 : i32
    %dma_wait3A_291 = tpu.memref_slice %arg5[%dma_wait3A_284, %dma_wait3A_290] : memref<128x200xi32, #tpu.memory_space<vmem>> -> memref<1x200xi32, #tpu.memory_space<vmem>>
    %dma_wait3A_292 = tpu.memref_squeeze %dma_wait3A_291 : memref<1x200xi32, #tpu.memory_space<vmem>> -> memref<200xi32, #tpu.memory_space<vmem>>
    %dma_wait3A_293 = arith.constant 0 : i32
    %dma_wait3A_294 = arith.constant 0 : i32
    %dma_wait3A_295 = tpu.memref_slice %arg3[%dma_wait3A_293, %dma_wait3A_294] : memref<1000000x32xf32, #tpu.memory_space<hbm>> -> memref<1000000x32xf32, #tpu.memory_space<hbm>>
    tpu.wait_indirect_dma semaphore(%arg14 : memref<!tpu.dma_semaphore, #tpu.memory_space<semaphore_mem>>) src(%dma_wait3A_295 : memref<1000000x32xf32, #tpu.memory_space<hbm>>) dst(%dma_wait3A_289 : memref<200x32xf32, #tpu.memory_space<vmem>>)
    %add3A_296 = arith.constant 126 : i32
    %add3A_297 = arith.addi %mul3A_2, %add3A_296 : i32
    %mul3A_298 = arith.constant 200 : i32
    %mul3A_299 = arith.muli %add3A_297, %mul3A_298 : i32
    %dma_start3A_300 = arith.constant 6 : i32
    %dma_start3A_301 = arith.constant 0 : i32
    %dma_start3A_302 = arith.constant 0 : i32
    %dma_start3A_303 = tpu.memref_slice %arg6[%dma_start3A_300, %dma_start3A_301, %dma_start3A_302] : memref<8x200x32xf32, #tpu.memory_space<vmem>> -> memref<1x200x32xf32, #tpu.memory_space<vmem>>
    %dma_start3A_304 = tpu.memref_squeeze %dma_start3A_303 : memref<1x200x32xf32, #tpu.memory_space<vmem>> -> memref<200x32xf32, #tpu.memory_space<vmem>>
    %dma_start3A_305 = arith.constant 0 : i32
    %dma_start3A_306 = tpu.memref_slice %arg4[%mul3A_299, %dma_start3A_305] : memref<819200x32xf32, #tpu.memory_space<hbm>> -> memref<200x32xf32, #tpu.memory_space<hbm>>
    %dma_start3A_307 = arith.constant 0 : i32
    %dma_start3A_308 = tpu.memref_slice %arg4[%mul3A_299, %dma_start3A_307] : memref<819200x32xf32, #tpu.memory_space<hbm>> -> memref<200x32xf32, #tpu.memory_space<hbm>>
    %dma_start3A_309 = arith.constant 0 : i32
    %dma_start3A_310 = arith.constant 0 : i32
    %dma_start3A_311 = tpu.memref_slice %arg6[%dma_start3A_300, %dma_start3A_309, %dma_start3A_310] : memref<8x200x32xf32, #tpu.memory_space<vmem>> -> memref<1x200x32xf32, #tpu.memory_space<vmem>>
    %dma_start3A_312 = tpu.memref_squeeze %dma_start3A_311 : memref<1x200x32xf32, #tpu.memory_space<vmem>> -> memref<200x32xf32, #tpu.memory_space<vmem>>
    tpu.enqueue_dma source(%dma_start3A_312 : memref<200x32xf32, #tpu.memory_space<vmem>>) target(%dma_start3A_308 : memref<200x32xf32, #tpu.memory_space<hbm>>) target_semaphore(%arg22 : memref<!tpu.dma_semaphore, #tpu.memory_space<semaphore_mem>>)
    %dma_wait3A_313 = arith.constant 0 : i32
    %dma_wait3A_314 = arith.constant 7 : i32
    %dma_wait3A_315 = arith.constant 0 : i32
    %dma_wait3A_316 = arith.constant 0 : i32
    %dma_wait3A_317 = tpu.memref_slice %arg6[%dma_wait3A_314, %dma_wait3A_315, %dma_wait3A_316] : memref<8x200x32xf32, #tpu.memory_space<vmem>> -> memref<1x200x32xf32, #tpu.memory_space<vmem>>
    %dma_wait3A_318 = tpu.memref_squeeze %dma_wait3A_317 : memref<1x200x32xf32, #tpu.memory_space<vmem>> -> memref<200x32xf32, #tpu.memory_space<vmem>>
    %dma_wait3A_319 = arith.constant 0 : i32
    %dma_wait3A_320 = tpu.memref_slice %arg5[%dma_wait3A_313, %dma_wait3A_319] : memref<128x200xi32, #tpu.memory_space<vmem>> -> memref<1x200xi32, #tpu.memory_space<vmem>>
    %dma_wait3A_321 = tpu.memref_squeeze %dma_wait3A_320 : memref<1x200xi32, #tpu.memory_space<vmem>> -> memref<200xi32, #tpu.memory_space<vmem>>
    %dma_wait3A_322 = arith.constant 0 : i32
    %dma_wait3A_323 = arith.constant 0 : i32
    %dma_wait3A_324 = tpu.memref_slice %arg3[%dma_wait3A_322, %dma_wait3A_323] : memref<1000000x32xf32, #tpu.memory_space<hbm>> -> memref<1000000x32xf32, #tpu.memory_space<hbm>>
    tpu.wait_indirect_dma semaphore(%arg15 : memref<!tpu.dma_semaphore, #tpu.memory_space<semaphore_mem>>) src(%dma_wait3A_324 : memref<1000000x32xf32, #tpu.memory_space<hbm>>) dst(%dma_wait3A_318 : memref<200x32xf32, #tpu.memory_space<vmem>>)
    %add3A_325 = arith.constant 127 : i32
    %add3A_326 = arith.addi %mul3A_2, %add3A_325 : i32
    %mul3A_327 = arith.constant 200 : i32
    %mul3A_328 = arith.muli %add3A_326, %mul3A_327 : i32
    %dma_start3A_329 = arith.constant 7 : i32
    %dma_start3A_330 = arith.constant 0 : i32
    %dma_start3A_331 = arith.constant 0 : i32
    %dma_start3A_332 = tpu.memref_slice %arg6[%dma_start3A_329, %dma_start3A_330, %dma_start3A_331] : memref<8x200x32xf32, #tpu.memory_space<vmem>> -> memref<1x200x32xf32, #tpu.memory_space<vmem>>
    %dma_start3A_333 = tpu.memref_squeeze %dma_start3A_332 : memref<1x200x32xf32, #tpu.memory_space<vmem>> -> memref<200x32xf32, #tpu.memory_space<vmem>>
    %dma_start3A_334 = arith.constant 0 : i32
    %dma_start3A_335 = tpu.memref_slice %arg4[%mul3A_328, %dma_start3A_334] : memref<819200x32xf32, #tpu.memory_space<hbm>> -> memref<200x32xf32, #tpu.memory_space<hbm>>
    %dma_start3A_336 = arith.constant 0 : i32
    %dma_start3A_337 = tpu.memref_slice %arg4[%mul3A_328, %dma_start3A_336] : memref<819200x32xf32, #tpu.memory_space<hbm>> -> memref<200x32xf32, #tpu.memory_space<hbm>>
    %dma_start3A_338 = arith.constant 0 : i32
    %dma_start3A_339 = arith.constant 0 : i32
    %dma_start3A_340 = tpu.memref_slice %arg6[%dma_start3A_329, %dma_start3A_338, %dma_start3A_339] : memref<8x200x32xf32, #tpu.memory_space<vmem>> -> memref<1x200x32xf32, #tpu.memory_space<vmem>>
    %dma_start3A_341 = tpu.memref_squeeze %dma_start3A_340 : memref<1x200x32xf32, #tpu.memory_space<vmem>> -> memref<200x32xf32, #tpu.memory_space<vmem>>
    tpu.enqueue_dma source(%dma_start3A_341 : memref<200x32xf32, #tpu.memory_space<vmem>>) target(%dma_start3A_337 : memref<200x32xf32, #tpu.memory_space<hbm>>) target_semaphore(%arg23 : memref<!tpu.dma_semaphore, #tpu.memory_space<semaphore_mem>>)
    %dma_wait3A_342 = arith.constant 0 : i32
    %dma_wait3A_343 = arith.constant 0 : i32
    %dma_wait3A_344 = arith.constant 0 : i32
    %dma_wait3A_345 = tpu.memref_slice %arg6[%dma_wait3A_342, %dma_wait3A_343, %dma_wait3A_344] : memref<8x200x32xf32, #tpu.memory_space<vmem>> -> memref<1x200x32xf32, #tpu.memory_space<vmem>>
    %dma_wait3A_346 = tpu.memref_squeeze %dma_wait3A_345 : memref<1x200x32xf32, #tpu.memory_space<vmem>> -> memref<200x32xf32, #tpu.memory_space<vmem>>
    %dma_wait3A_347 = arith.constant 0 : i32
    %dma_wait3A_348 = arith.constant 0 : i32
    %dma_wait3A_349 = tpu.memref_slice %arg4[%dma_wait3A_347, %dma_wait3A_348] : memref<819200x32xf32, #tpu.memory_space<hbm>> -> memref<200x32xf32, #tpu.memory_space<hbm>>
    %dma_wait3A_350 = arith.constant 0 : i32
    %dma_wait3A_351 = arith.constant 0 : i32
    %dma_wait3A_352 = tpu.memref_slice %arg4[%dma_wait3A_350, %dma_wait3A_351] : memref<819200x32xf32, #tpu.memory_space<hbm>> -> memref<200x32xf32, #tpu.memory_space<hbm>>
    %dma_wait3A_353 = arith.constant 0 : i32
    %dma_wait3A_354 = arith.constant 0 : i32
    %dma_wait3A_355 = tpu.memref_slice %arg6[%dma_wait3A_342, %dma_wait3A_353, %dma_wait3A_354] : memref<8x200x32xf32, #tpu.memory_space<vmem>> -> memref<1x200x32xf32, #tpu.memory_space<vmem>>
    %dma_wait3A_356 = tpu.memref_squeeze %dma_wait3A_355 : memref<1x200x32xf32, #tpu.memory_space<vmem>> -> memref<200x32xf32, #tpu.memory_space<vmem>>
    tpu.wait_dma2 semaphore(%arg16 : memref<!tpu.dma_semaphore, #tpu.memory_space<semaphore_mem>>) src(%dma_wait3A_356 : memref<200x32xf32, #tpu.memory_space<vmem>>) dst(%dma_wait3A_352 : memref<200x32xf32, #tpu.memory_space<hbm>>)
    %dma_wait3A_357 = arith.constant 1 : i32
    %dma_wait3A_358 = arith.constant 0 : i32
    %dma_wait3A_359 = arith.constant 0 : i32
    %dma_wait3A_360 = tpu.memref_slice %arg6[%dma_wait3A_357, %dma_wait3A_358, %dma_wait3A_359] : memref<8x200x32xf32, #tpu.memory_space<vmem>> -> memref<1x200x32xf32, #tpu.memory_space<vmem>>
    %dma_wait3A_361 = tpu.memref_squeeze %dma_wait3A_360 : memref<1x200x32xf32, #tpu.memory_space<vmem>> -> memref<200x32xf32, #tpu.memory_space<vmem>>
    %dma_wait3A_362 = arith.constant 0 : i32
    %dma_wait3A_363 = arith.constant 0 : i32
    %dma_wait3A_364 = tpu.memref_slice %arg4[%dma_wait3A_362, %dma_wait3A_363] : memref<819200x32xf32, #tpu.memory_space<hbm>> -> memref<200x32xf32, #tpu.memory_space<hbm>>
    %dma_wait3A_365 = arith.constant 0 : i32
    %dma_wait3A_366 = arith.constant 0 : i32
    %dma_wait3A_367 = tpu.memref_slice %arg4[%dma_wait3A_365, %dma_wait3A_366] : memref<819200x32xf32, #tpu.memory_space<hbm>> -> memref<200x32xf32, #tpu.memory_space<hbm>>
    %dma_wait3A_368 = arith.constant 0 : i32
    %dma_wait3A_369 = arith.constant 0 : i32
    %dma_wait3A_370 = tpu.memref_slice %arg6[%dma_wait3A_357, %dma_wait3A_368, %dma_wait3A_369] : memref<8x200x32xf32, #tpu.memory_space<vmem>> -> memref<1x200x32xf32, #tpu.memory_space<vmem>>
    %dma_wait3A_371 = tpu.memref_squeeze %dma_wait3A_370 : memref<1x200x32xf32, #tpu.memory_space<vmem>> -> memref<200x32xf32, #tpu.memory_space<vmem>>
    tpu.wait_dma2 semaphore(%arg17 : memref<!tpu.dma_semaphore, #tpu.memory_space<semaphore_mem>>) src(%dma_wait3A_371 : memref<200x32xf32, #tpu.memory_space<vmem>>) dst(%dma_wait3A_367 : memref<200x32xf32, #tpu.memory_space<hbm>>)
    %dma_wait3A_372 = arith.constant 2 : i32
    %dma_wait3A_373 = arith.constant 0 : i32
    %dma_wait3A_374 = arith.constant 0 : i32
    %dma_wait3A_375 = tpu.memref_slice %arg6[%dma_wait3A_372, %dma_wait3A_373, %dma_wait3A_374] : memref<8x200x32xf32, #tpu.memory_space<vmem>> -> memref<1x200x32xf32, #tpu.memory_space<vmem>>
    %dma_wait3A_376 = tpu.memref_squeeze %dma_wait3A_375 : memref<1x200x32xf32, #tpu.memory_space<vmem>> -> memref<200x32xf32, #tpu.memory_space<vmem>>
    %dma_wait3A_377 = arith.constant 0 : i32
    %dma_wait3A_378 = arith.constant 0 : i32
    %dma_wait3A_379 = tpu.memref_slice %arg4[%dma_wait3A_377, %dma_wait3A_378] : memref<819200x32xf32, #tpu.memory_space<hbm>> -> memref<200x32xf32, #tpu.memory_space<hbm>>
    %dma_wait3A_380 = arith.constant 0 : i32
    %dma_wait3A_381 = arith.constant 0 : i32
    %dma_wait3A_382 = tpu.memref_slice %arg4[%dma_wait3A_380, %dma_wait3A_381] : memref<819200x32xf32, #tpu.memory_space<hbm>> -> memref<200x32xf32, #tpu.memory_space<hbm>>
    %dma_wait3A_383 = arith.constant 0 : i32
    %dma_wait3A_384 = arith.constant 0 : i32
    %dma_wait3A_385 = tpu.memref_slice %arg6[%dma_wait3A_372, %dma_wait3A_383, %dma_wait3A_384] : memref<8x200x32xf32, #tpu.memory_space<vmem>> -> memref<1x200x32xf32, #tpu.memory_space<vmem>>
    %dma_wait3A_386 = tpu.memref_squeeze %dma_wait3A_385 : memref<1x200x32xf32, #tpu.memory_space<vmem>> -> memref<200x32xf32, #tpu.memory_space<vmem>>
    tpu.wait_dma2 semaphore(%arg18 : memref<!tpu.dma_semaphore, #tpu.memory_space<semaphore_mem>>) src(%dma_wait3A_386 : memref<200x32xf32, #tpu.memory_space<vmem>>) dst(%dma_wait3A_382 : memref<200x32xf32, #tpu.memory_space<hbm>>)
    %dma_wait3A_387 = arith.constant 3 : i32
    %dma_wait3A_388 = arith.constant 0 : i32
    %dma_wait3A_389 = arith.constant 0 : i32
    %dma_wait3A_390 = tpu.memref_slice %arg6[%dma_wait3A_387, %dma_wait3A_388, %dma_wait3A_389] : memref<8x200x32xf32, #tpu.memory_space<vmem>> -> memref<1x200x32xf32, #tpu.memory_space<vmem>>
    %dma_wait3A_391 = tpu.memref_squeeze %dma_wait3A_390 : memref<1x200x32xf32, #tpu.memory_space<vmem>> -> memref<200x32xf32, #tpu.memory_space<vmem>>
    %dma_wait3A_392 = arith.constant 0 : i32
    %dma_wait3A_393 = arith.constant 0 : i32
    %dma_wait3A_394 = tpu.memref_slice %arg4[%dma_wait3A_392, %dma_wait3A_393] : memref<819200x32xf32, #tpu.memory_space<hbm>> -> memref<200x32xf32, #tpu.memory_space<hbm>>
    %dma_wait3A_395 = arith.constant 0 : i32
    %dma_wait3A_396 = arith.constant 0 : i32
    %dma_wait3A_397 = tpu.memref_slice %arg4[%dma_wait3A_395, %dma_wait3A_396] : memref<819200x32xf32, #tpu.memory_space<hbm>> -> memref<200x32xf32, #tpu.memory_space<hbm>>
    %dma_wait3A_398 = arith.constant 0 : i32
    %dma_wait3A_399 = arith.constant 0 : i32
    %dma_wait3A_400 = tpu.memref_slice %arg6[%dma_wait3A_387, %dma_wait3A_398, %dma_wait3A_399] : memref<8x200x32xf32, #tpu.memory_space<vmem>> -> memref<1x200x32xf32, #tpu.memory_space<vmem>>
    %dma_wait3A_401 = tpu.memref_squeeze %dma_wait3A_400 : memref<1x200x32xf32, #tpu.memory_space<vmem>> -> memref<200x32xf32, #tpu.memory_space<vmem>>
    tpu.wait_dma2 semaphore(%arg19 : memref<!tpu.dma_semaphore, #tpu.memory_space<semaphore_mem>>) src(%dma_wait3A_401 : memref<200x32xf32, #tpu.memory_space<vmem>>) dst(%dma_wait3A_397 : memref<200x32xf32, #tpu.memory_space<hbm>>)
    %dma_wait3A_402 = arith.constant 4 : i32
    %dma_wait3A_403 = arith.constant 0 : i32
    %dma_wait3A_404 = arith.constant 0 : i32
    %dma_wait3A_405 = tpu.memref_slice %arg6[%dma_wait3A_402, %dma_wait3A_403, %dma_wait3A_404] : memref<8x200x32xf32, #tpu.memory_space<vmem>> -> memref<1x200x32xf32, #tpu.memory_space<vmem>>
    %dma_wait3A_406 = tpu.memref_squeeze %dma_wait3A_405 : memref<1x200x32xf32, #tpu.memory_space<vmem>> -> memref<200x32xf32, #tpu.memory_space<vmem>>
    %dma_wait3A_407 = arith.constant 0 : i32
    %dma_wait3A_408 = arith.constant 0 : i32
    %dma_wait3A_409 = tpu.memref_slice %arg4[%dma_wait3A_407, %dma_wait3A_408] : memref<819200x32xf32, #tpu.memory_space<hbm>> -> memref<200x32xf32, #tpu.memory_space<hbm>>
    %dma_wait3A_410 = arith.constant 0 : i32
    %dma_wait3A_411 = arith.constant 0 : i32
    %dma_wait3A_412 = tpu.memref_slice %arg4[%dma_wait3A_410, %dma_wait3A_411] : memref<819200x32xf32, #tpu.memory_space<hbm>> -> memref<200x32xf32, #tpu.memory_space<hbm>>
    %dma_wait3A_413 = arith.constant 0 : i32
    %dma_wait3A_414 = arith.constant 0 : i32
    %dma_wait3A_415 = tpu.memref_slice %arg6[%dma_wait3A_402, %dma_wait3A_413, %dma_wait3A_414] : memref<8x200x32xf32, #tpu.memory_space<vmem>> -> memref<1x200x32xf32, #tpu.memory_space<vmem>>
    %dma_wait3A_416 = tpu.memref_squeeze %dma_wait3A_415 : memref<1x200x32xf32, #tpu.memory_space<vmem>> -> memref<200x32xf32, #tpu.memory_space<vmem>>
    tpu.wait_dma2 semaphore(%arg20 : memref<!tpu.dma_semaphore, #tpu.memory_space<semaphore_mem>>) src(%dma_wait3A_416 : memref<200x32xf32, #tpu.memory_space<vmem>>) dst(%dma_wait3A_412 : memref<200x32xf32, #tpu.memory_space<hbm>>)
    %dma_wait3A_417 = arith.constant 5 : i32
    %dma_wait3A_418 = arith.constant 0 : i32
    %dma_wait3A_419 = arith.constant 0 : i32
    %dma_wait3A_420 = tpu.memref_slice %arg6[%dma_wait3A_417, %dma_wait3A_418, %dma_wait3A_419] : memref<8x200x32xf32, #tpu.memory_space<vmem>> -> memref<1x200x32xf32, #tpu.memory_space<vmem>>
    %dma_wait3A_421 = tpu.memref_squeeze %dma_wait3A_420 : memref<1x200x32xf32, #tpu.memory_space<vmem>> -> memref<200x32xf32, #tpu.memory_space<vmem>>
    %dma_wait3A_422 = arith.constant 0 : i32
    %dma_wait3A_423 = arith.constant 0 : i32
    %dma_wait3A_424 = tpu.memref_slice %arg4[%dma_wait3A_422, %dma_wait3A_423] : memref<819200x32xf32, #tpu.memory_space<hbm>> -> memref<200x32xf32, #tpu.memory_space<hbm>>
    %dma_wait3A_425 = arith.constant 0 : i32
    %dma_wait3A_426 = arith.constant 0 : i32
    %dma_wait3A_427 = tpu.memref_slice %arg4[%dma_wait3A_425, %dma_wait3A_426] : memref<819200x32xf32, #tpu.memory_space<hbm>> -> memref<200x32xf32, #tpu.memory_space<hbm>>
    %dma_wait3A_428 = arith.constant 0 : i32
    %dma_wait3A_429 = arith.constant 0 : i32
    %dma_wait3A_430 = tpu.memref_slice %arg6[%dma_wait3A_417, %dma_wait3A_428, %dma_wait3A_429] : memref<8x200x32xf32, #tpu.memory_space<vmem>> -> memref<1x200x32xf32, #tpu.memory_space<vmem>>
    %dma_wait3A_431 = tpu.memref_squeeze %dma_wait3A_430 : memref<1x200x32xf32, #tpu.memory_space<vmem>> -> memref<200x32xf32, #tpu.memory_space<vmem>>
    tpu.wait_dma2 semaphore(%arg21 : memref<!tpu.dma_semaphore, #tpu.memory_space<semaphore_mem>>) src(%dma_wait3A_431 : memref<200x32xf32, #tpu.memory_space<vmem>>) dst(%dma_wait3A_427 : memref<200x32xf32, #tpu.memory_space<hbm>>)
    %dma_wait3A_432 = arith.constant 6 : i32
    %dma_wait3A_433 = arith.constant 0 : i32
    %dma_wait3A_434 = arith.constant 0 : i32
    %dma_wait3A_435 = tpu.memref_slice %arg6[%dma_wait3A_432, %dma_wait3A_433, %dma_wait3A_434] : memref<8x200x32xf32, #tpu.memory_space<vmem>> -> memref<1x200x32xf32, #tpu.memory_space<vmem>>
    %dma_wait3A_436 = tpu.memref_squeeze %dma_wait3A_435 : memref<1x200x32xf32, #tpu.memory_space<vmem>> -> memref<200x32xf32, #tpu.memory_space<vmem>>
    %dma_wait3A_437 = arith.constant 0 : i32
    %dma_wait3A_438 = arith.constant 0 : i32
    %dma_wait3A_439 = tpu.memref_slice %arg4[%dma_wait3A_437, %dma_wait3A_438] : memref<819200x32xf32, #tpu.memory_space<hbm>> -> memref<200x32xf32, #tpu.memory_space<hbm>>
    %dma_wait3A_440 = arith.constant 0 : i32
    %dma_wait3A_441 = arith.constant 0 : i32
    %dma_wait3A_442 = tpu.memref_slice %arg4[%dma_wait3A_440, %dma_wait3A_441] : memref<819200x32xf32, #tpu.memory_space<hbm>> -> memref<200x32xf32, #tpu.memory_space<hbm>>
    %dma_wait3A_443 = arith.constant 0 : i32
    %dma_wait3A_444 = arith.constant 0 : i32
    %dma_wait3A_445 = tpu.memref_slice %arg6[%dma_wait3A_432, %dma_wait3A_443, %dma_wait3A_444] : memref<8x200x32xf32, #tpu.memory_space<vmem>> -> memref<1x200x32xf32, #tpu.memory_space<vmem>>
    %dma_wait3A_446 = tpu.memref_squeeze %dma_wait3A_445 : memref<1x200x32xf32, #tpu.memory_space<vmem>> -> memref<200x32xf32, #tpu.memory_space<vmem>>
    tpu.wait_dma2 semaphore(%arg22 : memref<!tpu.dma_semaphore, #tpu.memory_space<semaphore_mem>>) src(%dma_wait3A_446 : memref<200x32xf32, #tpu.memory_space<vmem>>) dst(%dma_wait3A_442 : memref<200x32xf32, #tpu.memory_space<hbm>>)
    %dma_wait3A_447 = arith.constant 7 : i32
    %dma_wait3A_448 = arith.constant 0 : i32
    %dma_wait3A_449 = arith.constant 0 : i32
    %dma_wait3A_450 = tpu.memref_slice %arg6[%dma_wait3A_447, %dma_wait3A_448, %dma_wait3A_449] : memref<8x200x32xf32, #tpu.memory_space<vmem>> -> memref<1x200x32xf32, #tpu.memory_space<vmem>>
    %dma_wait3A_451 = tpu.memref_squeeze %dma_wait3A_450 : memref<1x200x32xf32, #tpu.memory_space<vmem>> -> memref<200x32xf32, #tpu.memory_space<vmem>>
    %dma_wait3A_452 = arith.constant 0 : i32
    %dma_wait3A_453 = arith.constant 0 : i32
    %dma_wait3A_454 = tpu.memref_slice %arg4[%dma_wait3A_452, %dma_wait3A_453] : memref<819200x32xf32, #tpu.memory_space<hbm>> -> memref<200x32xf32, #tpu.memory_space<hbm>>
    %dma_wait3A_455 = arith.constant 0 : i32
    %dma_wait3A_456 = arith.constant 0 : i32
    %dma_wait3A_457 = tpu.memref_slice %arg4[%dma_wait3A_455, %dma_wait3A_456] : memref<819200x32xf32, #tpu.memory_space<hbm>> -> memref<200x32xf32, #tpu.memory_space<hbm>>
    %dma_wait3A_458 = arith.constant 0 : i32
    %dma_wait3A_459 = arith.constant 0 : i32
    %dma_wait3A_460 = tpu.memref_slice %arg6[%dma_wait3A_447, %dma_wait3A_458, %dma_wait3A_459] : memref<8x200x32xf32, #tpu.memory_space<vmem>> -> memref<1x200x32xf32, #tpu.memory_space<vmem>>
    %dma_wait3A_461 = tpu.memref_squeeze %dma_wait3A_460 : memref<1x200x32xf32, #tpu.memory_space<vmem>> -> memref<200x32xf32, #tpu.memory_space<vmem>>
    tpu.wait_dma2 semaphore(%arg23 : memref<!tpu.dma_semaphore, #tpu.memory_space<semaphore_mem>>) src(%dma_wait3A_461 : memref<200x32xf32, #tpu.memory_space<vmem>>) dst(%dma_wait3A_457 : memref<200x32xf32, #tpu.memory_space<hbm>>)
    return
  }
}

</mosaic_0001>

<sc_bundles>
// kernel: kernel.3.cloned.1.call-start
scs
__scs_entry_jumppad:
0x0: {  	(pc) =	sbr.rel $0x88, $3  }
0x1: {  	(tag) =	ssettag $0x0;
	lr =	simm.s32 $0x1  }
0x2: {  	[smem:$0x3F9F] =	sst lr;
	_ =	strace $0xD0000000  }
0x3: {  	_ = 	snop  }
0x4: {  	_ = 	snop  }
0x5: {  	_ = 	snop  }
0x6: {  	_ = 	snop  }
0x7: {  	_ = 	snop  }
__scs_overlays_trampoline_lowered:
0x8: {  	[smem:$0x3FAE] =	sst s0  }
0x9: {  	[smem:$0x3FAF] =	sst s1  }
0xa: {  	[smem:$0x3FB0] =	sst s2  }
0xb: {  	[smem:$0x3FB1] =	sst s3  }
0xc: {  	[smem:$0x3FB2] =	sst s4  }
0xd: {  	[smem:$0x3FB3] =	sst s5  }
0xe: {  	[smem:$0x3FB4] =	sst s6  }
0xf: {  	[smem:$0x3FB5] =	sst s7  }
0x10: {  	[smem:$0x3FB6] =	sst s8  }
0x11: {  	[smem:$0x3FB7] =	sst s9;
	s0 =	simm.s32 @!p0 $0x0  }
0x12: {  	s1 =	sld [smem:$0x3F9D];
	s0 =	simm.s32 @p0 $0x1  }
0x13: {  	[smem:$0x3FB8] =	sst s0;
	s0 =	simm.s32 @!p1 $0x0  }
0x14: {  	s2 =	sld [smem:$0x3F9C];
	s0 =	simm.s32 @p1 $0x1  }
0x15: {  	[smem:$0x3FB9] =	sst s0;
	s0 =	simm.s32 @!p2 $0x0  }
0x16: {  	s3 =	sld [smem:$0x3FDB];
	s0 =	simm.s32 @p2 $0x1  }
0x17: {  	s4 =	simm.s32 $0x1BF5;
	[smem:$0x3FBB] =	sst s0  }
0x18: {  	s0 =	sld [smem:$0x3F9E];
	_ =	swait.ge [sflag:s4], $0x0  }
0x19: {  	s7 =	sld [smem:$0x3F9F]  }
0x1a: {  	s8 =	sadd.s32 $0xFFFFE003, lr  }
0x1b: {  	s9 =	sadd.s32 $0xFFFFFEF7, lr;
	s5 =	simm.s32 $0xFFFFFFFF;
	p2 =	slt.u32 s8, $0xFFFFF086  }
0x1c: {  	p1 =	slt.u32 s9, $0xF7A;
	s5 =	simm.s32 @!p2 $0x0  }
0x1d: {  	s5 =	simm.s32 @p1 $0x1;
	p0 =	seq.s32 s7, s2  }
0x1e: {  	s7 =	smul.u32 @!p0 $0xF7A, s2;
	p2 =	seq.s32 @!p0 s5, $0x0  }
0x1f: {  	s9 =	smul.u32 $0xF7A, s1;
	s8 =	simm.s32 @!p0 $0x1BF5;
	p2 =	por !p2, p0  }
0x20: {  	[sflag:s8] =	ssyncset.s32 @!p0 $0xFFFFF086;
	s6 =	sadd.s32 @!p0 s3, s7;
	s7 =	simm.s32 @!p0 $0x108  }
0x21: {  	s3 =	sadd.s32 s3, s9;
	s6 =	sadd.s32 @!p0 $0x88, s6;
	s7 =	simm.s32 @p2 $0x1082  }
0x22: {  	[simem:s7], [sflag:s8] =	dma.local @!p0 [hbm:s6], $0xF7A  }
0x23: {  	s9 =	sor.u32 $0xD0000000, s2;
	s6 =	simm.s32 $0x108;
	_ =	swait.ge @!p0 [sflag:s8], $0x0  }
0x24: {  	s3 =	sadd.s32 $0x88, s3;
	s6 =	simm.s32 @!p1 $0x1082;
	[sflag:s4] =	ssyncset.s32 $0xFFFFF086  }
0x25: {  	[simem:s6], [sflag:s4] =	dma.local [hbm:s3], $0xF7A  }
0x26: {  	[smem:$0x3F9F] =	sst s1;
	(tag) =	ssettag s2;
	_ =	strace s9  }
0x27: {  	s1 =	sld [smem:$0x3FAF]  }
0x28: {  	s2 =	sld [smem:$0x3FB0]  }
0x29: {  	s4 =	sld [smem:$0x3FB2]  }
0x2a: {  	p0 =	seq.s32 s5, $0x0;
	s5 =	sld [smem:$0x3FB3]  }
0x2b: {  	s6 =	sld [smem:$0x3FB4]  }
0x2c: {  	s7 =	sld [smem:$0x3FB5]  }
0x2d: {  	s3 =	simm.s32 $0x108;
	s8 =	sld [smem:$0x3FB6]  }
0x2e: {  	s3 =	simm.s32 @!p0 $0x1082;
	s9 =	sld [smem:$0x3FB7]  }
0x2f: {  	lr =	sadd.s32 s0, s3;
	s0 =	sld [smem:$0x3FAE]  }
0x30: {  	s3 =	sld [smem:$0x3FB1]  }
0x31: {  	[smem:$0x3FBA] =	sst s10  }
0x32: {  	s10 =	sld [smem:$0x3FB8];
	_ =	sdelay $0x3  }
0x33: {  	p0 =	seq.s32 s10, $0x1;
	s10 =	sld [smem:$0x3FBA];
	_ =	sdelay $0x3  }
0x34: {  	[smem:$0x3FBA] =	sst s10  }
0x35: {  	s10 =	sld [smem:$0x3FB9];
	_ =	sdelay $0x3  }
0x36: {  	p1 =	seq.s32 s10, $0x1;
	s10 =	sld [smem:$0x3FBA];
	_ =	sdelay $0x3  }
0x37: {  	[smem:$0x3FBA] =	sst s10  }
0x38: {  	s10 =	sld [smem:$0x3FBB]  }
0x39: {  	_ = 	snop;
	(pc) =	sbr.ind lr, $3  }
0x3a: {  	_ = 	snop  }
0x3b: {  	_ = 	snop  }
0x3c: {  	p2 =	seq.s32 s10, $0x1;
	s10 =	sld [smem:$0x3FBA]  }
0x3d: {  	_ =	shalt  }
0x3e: {  	_ =	shalt  }
0x3f: {  	_ =	shalt  }
0x40: {  	_ =	shalt  }
0x41: {  	_ =	shalt  }
0x42: {  	_ =	shalt  }
0x43: {  	_ =	shalt  }
0x44: {  	_ =	shalt  }
0x45: {  	_ =	shalt  }
0x46: {  	_ =	shalt  }
0x47: {  	_ =	shalt  }
0x48: {  	_ =	shalt  }
0x49: {  	_ =	shalt  }
0x4a: {  	_ =	shalt  }
0x4b: {  	_ =	shalt  }
0x4c: {  	_ =	shalt  }
0x4d: {  	_ =	shalt  }
0x4e: {  	_ =	shalt  }
0x4f: {  	_ =	shalt  }
0x50: {  	_ =	shalt  }
0x51: {  	_ =	shalt  }
0x52: {  	_ =	shalt  }
0x53: {  	_ =	shalt  }
0x54: {  	_ =	shalt  }
0x55: {  	_ =	shalt  }
0x56: {  	_ =	shalt  }
0x57: {  	_ =	shalt  }
0x58: {  	_ =	shalt  }
0x59: {  	_ =	shalt  }
0x5a: {  	_ =	shalt  }
0x5b: {  	_ =	shalt  }
0x5c: {  	_ =	shalt  }
0x5d: {  	_ =	shalt  }
0x5e: {  	_ =	shalt  }
0x5f: {  	_ =	shalt  }
0x60: {  	_ =	shalt  }
0x61: {  	_ =	shalt  }
0x62: {  	_ =	shalt  }
0x63: {  	_ =	shalt  }
0x64: {  	_ =	shalt  }
0x65: {  	_ =	shalt  }
0x66: {  	_ =	shalt  }
0x67: {  	_ =	shalt  }
0x68: {  	_ =	shalt  }
0x69: {  	_ =	shalt  }
0x6a: {  	_ =	shalt  }
0x6b: {  	_ =	shalt  }
0x6c: {  	_ =	shalt  }
0x6d: {  	_ =	shalt  }
0x6e: {  	_ =	shalt  }
0x6f: {  	_ =	shalt  }
0x70: {  	_ =	shalt  }
0x71: {  	_ =	shalt  }
0x72: {  	_ =	shalt  }
0x73: {  	_ =	shalt  }
0x74: {  	_ =	shalt  }
0x75: {  	_ =	shalt  }
0x76: {  	_ =	shalt  }
0x77: {  	_ =	shalt  }
0x78: {  	_ =	shalt  }
0x79: {  	_ =	shalt  }
0x7a: {  	_ =	shalt  }
0x7b: {  	_ =	shalt  }
0x7c: {  	_ =	shalt  }
0x7d: {  	_ =	shalt  }
0x7e: {  	_ =	shalt  }
0x7f: {  	_ =	shalt  }
0x80: {  	_ =	shalt  }
0x81: {  	_ =	shalt  }
0x82: {  	_ =	shalt  }
0x83: {  	_ =	shalt  }
0x84: {  	_ =	shalt  }
0x85: {  	_ =	shalt  }
0x86: {  	_ =	shalt  }
0x87: {  	_ =	shalt  }
.Lfunc_end0:
.L_simem_size_0:
called_computation.1_lowered:
.L_overlay_start_0:
0x88: {  	s2 =	sld [smem:$0x3FD9]  }
0x89: {  	s3 =	sld [smem:$0x3FFE];
	_ =	sdelay $0x1  }
0x8a: {  	s1 =	srdreg.scid  }
0x8b: {  	s0 =	sand.u32 $0x1, s1  }
0x8c: {  	s17 =	sshll.u32 s0, $0xA;
	s2 =	sadd.s32 s3, s2  }
0x8d: {  	s2 =	sadd.s32 s2, s17  }
0x8e: {  	[smem:$0x3FC6] =	sst s2  }
0x8f: {  	_ = 	snop  }
0x90: {  	s2 =	sld [smem:$0x3FD0];
	(tm) =	ssettm $0x1  }
0x91: {  	s18 =	sld [smem:$0x3FFB];
	_ =	sdelay $0x3  }
0x92: {  	_ =	strace s18  }
0x93: {  	s3 =	sld [smem:$0x3FFC];
	_ =	sdelay $0x3  }
0x94: {  	_ =	strace s3  }
0x95: {  	s3 =	sld [smem:$0x3FFD];
	_ =	sdelay $0x3  }
0x96: {  	_ =	strace s3  }
0x97: {  	_ =	strace $0x8FFFFFFF  }
0x98: {  	s19 =	sld [smem:$0x3FDB];
	_ =	sdelay $0x1  }
0x99: {  	s4 =	simm.s32 $_scs_section_size  }
0x9a: {  	s5 =	simm.s32 $_size__tile_overlayer_lowered;
	s6 =	simm.s32 $_tile_overlayer_lowered  }
0x9b: {  	s22 =	simm.s32 $0x1BFF;
	s21 =	sshll.u32 s6, $0x1;
	s3 =	sadd.s32 s4, s19  }
0x9c: {  	s7 =	simm.s32 $0x0;
	s20 =	sshll.u32 s5, $0x1;
	s5 =	sadd.s32 s21, s3  }
0x9d: {  	[timem:s7], [sflag:s22] =	dma.local [hbm:s5], s20  }
0x9e: {  	_ =	swait.ge [sflag:s22], s20  }
0x9f: {  	s4 =	ssub.s32 $0x0, s20;
	[sflag:s22] =	ssyncset.done $0x0  }
0xa0: {  	[sflag:s22] =	ssyncadd.s32 s4;
	_ =	sdelay $0x1  }
0xa1: {  	s23 =	simm.s32 $0x1B8B  }
0xa2: {  	_ =	swait.ge [sflag:s23], $0x1  }
0xa3: {  	[sflag:s23] =	ssyncset.done $0x0  }
0xa4: {  	s25 =	simm.s32 $0x1B8E;
	s24 =	sld [smem:$0x3FFE];
	[sflag:s23] =	ssyncadd.s32 $0xFFFFFFFF  }
0xa5: {  	s26 =	simm.s32 $execute0_lowered;
	[smem:$0x3FD2] =	sst s25  }
0xa6: {  	s5 =	sshll.u32 s26, $0x1;
	_ =	strace $0x80000046;
	[dreg:$0x1] =	wrdreg $0xFFFFFFFF  }
0xa7: {  	s28 =	simm.s32 $_size_execute0_lowered;
	s3 =	sadd.s32 s3, s5;
	[dreg:$0x0] =	wrdreg $0x0  }
0xa8: {  	s5 =	sshll.u32 s28, $0x1;
	[dreg:$0x2] =	wrdreg s3  }
0xa9: {  	[dreg:$0x3] =	wrdreg s5  }
0xaa: {  	[dreg:$0x4] =	wrdreg $0xC0  }
0xab: {  	_ =	task [dreg:s7], $0x5FFFF  }
0xac: {  	[dreg:$0x1] =	wrdreg $0xFFFFFFFF  }
0xad: {  	[dreg:$0x0] =	wrdreg $0x60  }
0xae: {  	[dreg:$0x2] =	wrdreg s24  }
0xaf: {  	[dreg:$0x3] =	wrdreg s2  }
0xb0: {  	[dreg:$0x4] =	wrdreg $0x9  }
0xb1: {  	_ =	task.clear_ibuf [dreg:s7], $0x5FFFF;
	_ =	strace $0x90000046  }
0xb2: {  	s29 =	simm.s32 $0x9;
	_ =	strace $0x80000048  }
0xb3: {  	_ =	swait.ge [sflag:s29], $0x1  }
0xb4: {  	[sflag:s29] =	ssyncadd.s32 $0xFFFFFFFF  }
0xb5: {  	_ =	strace $0x90000048  }
0xb6: {  	_ =	sfence  }
0xb7: {  	s30 =	sld [smem:$0x0];
	_ =	sdelay $0x2  }
0xb8: {  	s31 =	sshll.u32 s1, $0xD;
	s1 =	sshrl.u32 s1, $0x2  }
0xb9: {  	s3 =	sand.u32 $0x4000, s31;
	s1 =	sadd.s32 s1, s30  }
0xba: {  	s0 =	sor.u32 s3, s0;
	s1 =	sshll.u32 s1, $0x11  }
0xbb: {  	s0 =	sor.u32 s1, s0  }
0xbc: {  	s0 =	sadd.s32 $0x8F2B, s0  }
0xbd: {  	[sflag:s0] =	ssyncadd.remote.s32 $0x1  }
0xbe: {  	_ =	sfence.sel $0xFFFF  }
0xbf: {  	[dreg:$0x0] =	wrdreg $0xFFFFFFFF;
	(pc) =	sbr.abs _section_cstart, $3  }
0xc0: {  	[dreg:$0x1] =	wrdreg $0xFFFFFFFF  }
0xc1: {  	_ =	task.clear_ibuf [dreg:s7], $0x2FFFF;
	_ =	strace $0x9FFFFFFF  }
0xc2: {  	(tm) =	ssettm $0x7FFFFFFF  }
0xc3: {  	_ =	shalt  }
tec
execute0_lowered:
.L_overlay_start_1:
0x0: {  	(tag) =	ssettag $0x1  }
0x1: {  	s0 =	rddreg [dreg:$0x0];
	s1 =	srdreg.scid  }
0x2: {  	s9 =	stileid.u32;
	s4 =	rddreg [dreg:$0x1];
	s2 =	simm.s32 $0x0  }
0x3: {  	s15 =	simm.s32 $0xC8;
	s16 =	simm.s32 $0x6400;
	s17 =	simm.s32 $0x7D00  }
0x4: {  	s28 =	simm.s32 $0xE100;
	s29 =	simm.s32 $0x4;
	s31 =	simm.s32 $0xFA00  }
0x5: {  	s18 =	simm.s32 $0x11300;
	s30 =	simm.s32 $0xB;
	s10 =	simm.s32 $0x10  }
0x6: {  	s1 =	sand.u32 $0x1, s1;
	s3 =	sshll.u32 s9, $0x1;
	s22 =	smul.u32 $0x32000, s9  }
0x7: {  	s5 =	sor.u32 s1, s3;
	s7 =	ssub.s32 $0x2, s1;
	s1 =	smul.u32 $0x19000, s1  }
0x8: {  	s11 =	simm.s32 $0x11;
	s12 =	simm.s32 $0x0;
	s3 =	smul.u32 $0xC80, s5  }
0x9: {  	[smem:$0x7FF] =	sst s2;
	s9 =	simm.s32 $0xF;
	s8 =	smul.u32 $0x19000, s5  }
0xa: {  	_ =	strace $0x80000047;
	s19 =	sshrl.u32 s7, $0x1;
	s5 =	smul.u32 $0xC8000, s5  }
0xb: {  	s6 =	sadd.s32 s3, s0;
	s3 =	sadd.s32 $0xF42E00, s0;
	s0 =	ssub.s32 s7, s19  }
0xc: {  	s20 =	sadd.s32 s4, s8;
	s5 =	sshrl.u32 s5, $0x3;
	s19 =	simm.s32 $0x9600  }
0xd: {  	s6 =	sadd.s32 $0xA00, s6;
	s21 =	sadd.s32 $0x320, s20;
	[dreg:$0x5] =	wrdreg s20  }
0xe: {  	s8 =	sadd.s32 $0x640, s20;
	s5 =	sadd.s32 s4, s5;
	[dreg:$0x4] =	wrdreg s6  }
0xf: {  	s7 =	sadd.s32 $0x960, s20;
	s4 =	sadd.s32 s22, s4;
	[dreg:$0x6] =	wrdreg s21  }
0x10: {  	s0 =	smax.u32 s0, $0x1;
	s22 =	simm.s32 $0x2;
	[dreg:$0x7] =	wrdreg s8  }
0x11: {  	s20 =	simm.s32 $0x6;
	[dreg:$0x8] =	wrdreg s7;
	s23 =	sadd.s32 $0x18380, s5  }
0x12: {  	s24 =	sadd.s32 $0x186A0, s5;
	s25 =	sadd.s32 $0x189C0, s5;
	[dreg:$0xd] =	wrdreg s0  }
0x13: {  	s1 =	sadd.s32 s1, s4;
	s26 =	sadd.s32 $0x18CE0, s5;
	[dreg:$0x9] =	wrdreg s23  }
0x14: {  	s21 =	simm.s32 $0xAF00;
	s0 =	simm.s32 $0x8;
	[dreg:$0xa] =	wrdreg s24  }
0x15: {  	s4 =	simm.s32 $0xC;
	s6 =	simm.s32 $0x9;
	[dreg:$0xb] =	wrdreg s25  }
0x16: {  	s7 =	simm.s32 $0xD;
	s8 =	simm.s32 $0xE;
	[dreg:$0xc] =	wrdreg s26  }
0x17: {  	[dreg:$0x3] =	wrdreg s1;
	s24 =	simm.s32 $0xC800;
	s25 =	simm.s32 $0x3  }
0x18: {  	s1 =	simm.s32 $0x5;
	s23 =	simm.s32 $0xA;
	s26 =	simm.s32 $0x7  }
.LBB2_1:
0x19: {  	[dreg:$0xe] =	wrdreg s12  }
0x1a: {  	s5 =	rddreg [dreg:$0x4];
	s14 =	simm.s32 $0x1  }
0x1b: {  	[tilespmem:s2], [sflag:$0x1] =	stream.linear.gather [hbm4b:s5+s2], $0x6400, $0x38;
	[tilespmem:$0x12C00] =	vst v63  }
0x1c: {  	_ =	swait.ge [sflag:s14], $0x6400  }
0x1d: {  	[sflag:s14] =	ssyncset.done $0x0  }
0x1e: {  	[sflag:s14] =	ssyncadd.s32 $0xFFFF9C00  }
0x1f: {  	[tilespmem:s16], [sflag:$0x2] =	stream.indirect.gather [hbm4b:s3+s15], $0x20, s2, s15, $0xb8;
	[tilespmem:$0x12C00] =	vst v63  }
0x20: {  	_ = 	snop  }
0x21: {  	[tilespmem:s17], [sflag:$0x3] =	stream.indirect.gather [hbm4b:s3+s15], $0x20, s15, s15, $0xb8;
	[tilespmem:$0x12C00] =	vst v63  }
0x22: {  	s12 =	simm.s32 $0x190  }
0x23: {  	[tilespmem:s19], [sflag:$0x4] =	stream.indirect.gather [hbm4b:s3+s15], $0x20, s12, s15, $0xb8;
	[tilespmem:$0x12C00] =	vst v63  }
0x24: {  	s13 =	simm.s32 $0x258  }
0x25: {  	[tilespmem:s21], [sflag:$0x5] =	stream.indirect.gather [hbm4b:s3+s15], $0x20, s13, s15, $0xb8;
	[tilespmem:$0x12C00] =	vst v63  }
0x26: {  	_ =	swait.ge [sflag:s22], $0x1900  }
0x27: {  	[sflag:s22] =	ssyncset.done $0x0  }
0x28: {  	s14 =	rddreg [dreg:$0x5];
	[sflag:s22] =	ssyncadd.s32 $0xFFFFE700  }
0x29: {  	[hbm4b:s14+s2] =	stream.linear.scatter [tilespmem:s16], [sflag:$0xA], $0x1900, $0x38;
	[tilespmem:$0x12C00] =	vst v63  }
0x2a: {  	s12 =	simm.s32 $0x320  }
0x2b: {  	[tilespmem:s24], [sflag:$0x6] =	stream.indirect.gather [hbm4b:s3+s15], $0x20, s12, s15, $0xb8;
	[tilespmem:$0x12C00] =	vst v63  }
0x2c: {  	_ =	swait.ge [sflag:s25], $0x1900  }
0x2d: {  	[sflag:s25] =	ssyncset.done $0x0  }
0x2e: {  	s13 =	rddreg [dreg:$0x6];
	[sflag:s25] =	ssyncadd.s32 $0xFFFFE700  }
0x2f: {  	[hbm4b:s13+s2] =	stream.linear.scatter [tilespmem:s17], [sflag:$0xB], $0x1900, $0x38;
	[tilespmem:$0x12C00] =	vst v63  }
0x30: {  	s14 =	simm.s32 $0x3E8  }
0x31: {  	[tilespmem:s28], [sflag:$0x7] =	stream.indirect.gather [hbm4b:s3+s15], $0x20, s14, s15, $0xb8;
	[tilespmem:$0x12C00] =	vst v63  }
0x32: {  	_ =	swait.ge [sflag:s29], $0x1900  }
0x33: {  	[sflag:s29] =	ssyncset.done $0x0  }
0x34: {  	s12 =	rddreg [dreg:$0x7];
	[sflag:s29] =	ssyncadd.s32 $0xFFFFE700  }
0x35: {  	[hbm4b:s12+s2] =	stream.linear.scatter [tilespmem:s19], [sflag:$0xC], $0x1900, $0x38;
	[tilespmem:$0x12C00] =	vst v63  }
0x36: {  	s13 =	simm.s32 $0x4B0  }
0x37: {  	[tilespmem:s31], [sflag:$0x8] =	stream.indirect.gather [hbm4b:s3+s15], $0x20, s13, s15, $0xb8;
	[tilespmem:$0x12C00] =	vst v63  }
0x38: {  	_ =	swait.ge [sflag:s1], $0x1900  }
0x39: {  	[sflag:s1] =	ssyncset.done $0x0  }
0x3a: {  	s14 =	rddreg [dreg:$0x8];
	[sflag:s1] =	ssyncadd.s32 $0xFFFFE700  }
0x3b: {  	[hbm4b:s14+s2] =	stream.linear.scatter [tilespmem:s21], [sflag:$0xD], $0x1900, $0x38;
	[tilespmem:$0x12C00] =	vst v63  }
0x3c: {  	s12 =	simm.s32 $0x578  }
0x3d: {  	[tilespmem:s18], [sflag:$0x9] =	stream.indirect.gather [hbm4b:s3+s15], $0x20, s12, s15, $0xb8;
	[tilespmem:$0x12C00] =	vst v63  }
0x3e: {  	_ =	swait.ge [sflag:s20], $0x1900  }
0x3f: {  	s13 =	rddreg [dreg:$0x3]  }
0x40: {  	[sflag:s20] =	ssyncset.done $0x0;
	s5 =	sadd.s32 $0x0, s13  }
0x41: {  	[sflag:s20] =	ssyncadd.s32 $0xFFFFE700;
	s13 =	sadd.s32 $0xC80, s5  }
0x42: {  	[hbm4b:s13+s2] =	stream.linear.scatter [tilespmem:s24], [sflag:$0xE], $0x1900, $0x38;
	[tilespmem:$0x12C00] =	vst v63  }
0x43: {  	_ =	swait.ge [sflag:s23], $0x1900  }
0x44: {  	[sflag:s23] =	ssyncset.done $0x0  }
0x45: {  	s14 =	simm.s32 $0x640;
	[sflag:s23] =	ssyncadd.s32 $0xFFFFE700  }
0x46: {  	[tilespmem:s16], [sflag:$0x2] =	stream.indirect.gather [hbm4b:s3+s15], $0x20, s14, s15, $0xb8;
	[tilespmem:$0x12C00] =	vst v63  }
0x47: {  	_ =	swait.ge [sflag:s26], $0x1900  }
0x48: {  	[sflag:s26] =	ssyncset.done $0x0  }
0x49: {  	s12 =	sadd.s32 $0xFA0, s5;
	[sflag:s26] =	ssyncadd.s32 $0xFFFFE700  }
0x4a: {  	[hbm4b:s12+s2] =	stream.linear.scatter [tilespmem:s28], [sflag:$0xF], $0x1900, $0x38;
	[tilespmem:$0x12C00] =	vst v63  }
0x4b: {  	_ =	swait.ge [sflag:s30], $0x1900  }
0x4c: {  	[sflag:s30] =	ssyncset.done $0x0  }
0x4d: {  	s14 =	simm.s32 $0x708;
	[sflag:s30] =	ssyncadd.s32 $0xFFFFE700  }
0x4e: {  	[tilespmem:s17], [sflag:$0x3] =	stream.indirect.gather [hbm4b:s3+s15], $0x20, s14, s15, $0xb8;
	[tilespmem:$0x12C00] =	vst v63  }
0x4f: {  	_ =	swait.ge [sflag:s0], $0x1900  }
0x50: {  	[sflag:s0] =	ssyncset.done $0x0  }
0x51: {  	s12 =	sadd.s32 $0x12C0, s5;
	[sflag:s0] =	ssyncadd.s32 $0xFFFFE700  }
0x52: {  	[hbm4b:s12+s2] =	stream.linear.scatter [tilespmem:s31], [sflag:$0x10], $0x1900, $0x38;
	[tilespmem:$0x12C00] =	vst v63  }
0x53: {  	_ =	swait.ge [sflag:s4], $0x1900  }
0x54: {  	[sflag:s4] =	ssyncset.done $0x0  }
0x55: {  	s14 =	simm.s32 $0x7D0;
	[sflag:s4] =	ssyncadd.s32 $0xFFFFE700  }
0x56: {  	[tilespmem:s19], [sflag:$0x4] =	stream.indirect.gather [hbm4b:s3+s15], $0x20, s14, s15, $0xb8;
	[tilespmem:$0x12C00] =	vst v63  }
0x57: {  	_ =	swait.ge [sflag:s6], $0x1900  }
0x58: {  	[sflag:s6] =	ssyncset.done $0x0  }
0x59: {  	s12 =	sadd.s32 $0x15E0, s5;
	[sflag:s6] =	ssyncadd.s32 $0xFFFFE700  }
0x5a: {  	[hbm4b:s12+s2] =	stream.linear.scatter [tilespmem:s18], [sflag:$0x11], $0x1900, $0x38;
	[tilespmem:$0x12C00] =	vst v63  }
0x5b: {  	_ =	swait.ge [sflag:s7], $0x1900  }
0x5c: {  	[sflag:s7] =	ssyncset.done $0x0  }
0x5d: {  	s14 =	simm.s32 $0x898;
	[sflag:s7] =	ssyncadd.s32 $0xFFFFE700  }
0x5e: {  	[tilespmem:s21], [sflag:$0x5] =	stream.indirect.gather [hbm4b:s3+s15], $0x20, s14, s15, $0xb8;
	[tilespmem:$0x12C00] =	vst v63  }
0x5f: {  	_ =	swait.ge [sflag:s22], $0x1900  }
0x60: {  	[sflag:s22] =	ssyncset.done $0x0  }
0x61: {  	s12 =	sadd.s32 $0x1900, s5;
	[sflag:s22] =	ssyncadd.s32 $0xFFFFE700  }
0x62: {  	[hbm4b:s12+s2] =	stream.linear.scatter [tilespmem:s16], [sflag:$0xA], $0x1900, $0x38;
	[tilespmem:$0x12C00] =	vst v63  }
0x63: {  	_ =	swait.ge [sflag:s8], $0x1900  }
0x64: {  	[sflag:s8] =	ssyncset.done $0x0  }
0x65: {  	s14 =	simm.s32 $0x960;
	[sflag:s8] =	ssyncadd.s32 $0xFFFFE700  }
0x66: {  	[tilespmem:s24], [sflag:$0x6] =	stream.indirect.gather [hbm4b:s3+s15], $0x20, s14, s15, $0xb8;
	[tilespmem:$0x12C00] =	vst v63  }
0x67: {  	_ =	swait.ge [sflag:s25], $0x1900  }
0x68: {  	[sflag:s25] =	ssyncset.done $0x0  }
0x69: {  	s12 =	sadd.s32 $0x1C20, s5;
	[sflag:s25] =	ssyncadd.s32 $0xFFFFE700  }
0x6a: {  	[hbm4b:s12+s2] =	stream.linear.scatter [tilespmem:s17], [sflag:$0xB], $0x1900, $0x38;
	[tilespmem:$0x12C00] =	vst v63  }
0x6b: {  	_ =	swait.ge [sflag:s9], $0x1900  }
0x6c: {  	[sflag:s9] =	ssyncset.done $0x0  }
0x6d: {  	s14 =	simm.s32 $0xA28;
	[sflag:s9] =	ssyncadd.s32 $0xFFFFE700  }
0x6e: {  	[tilespmem:s28], [sflag:$0x7] =	stream.indirect.gather [hbm4b:s3+s15], $0x20, s14, s15, $0xb8;
	[tilespmem:$0x12C00] =	vst v63  }
0x6f: {  	_ =	swait.ge [sflag:s29], $0x1900  }
0x70: {  	[sflag:s29] =	ssyncset.done $0x0  }
0x71: {  	s12 =	sadd.s32 $0x1F40, s5;
	[sflag:s29] =	ssyncadd.s32 $0xFFFFE700  }
0x72: {  	[hbm4b:s12+s2] =	stream.linear.scatter [tilespmem:s19], [sflag:$0xC], $0x1900, $0x38;
	[tilespmem:$0x12C00] =	vst v63  }
0x73: {  	_ =	swait.ge [sflag:s10], $0x1900  }
0x74: {  	[sflag:s10] =	ssyncset.done $0x0  }
0x75: {  	s14 =	simm.s32 $0xAF0;
	[sflag:s10] =	ssyncadd.s32 $0xFFFFE700  }
0x76: {  	[tilespmem:s31], [sflag:$0x8] =	stream.indirect.gather [hbm4b:s3+s15], $0x20, s14, s15, $0xb8;
	[tilespmem:$0x12C00] =	vst v63  }
0x77: {  	_ =	swait.ge [sflag:s1], $0x1900  }
0x78: {  	[sflag:s1] =	ssyncset.done $0x0  }
0x79: {  	s5 =	sadd.s32 $0x2260, s5;
	[sflag:s1] =	ssyncadd.s32 $0xFFFFE700  }
0x7a: {  	[hbm4b:s5+s2] =	stream.linear.scatter [tilespmem:s21], [sflag:$0xD], $0x1900, $0x38;
	[tilespmem:$0x12C00] =	vst v63  }
0x7b: {  	_ =	swait.ge [sflag:s11], $0x1900  }
0x7c: {  	[sflag:s11] =	ssyncset.done $0x0  }
0x7d: {  	s13 =	simm.s32 $0x1900;
	s5 =	simm.s32 $0xBB8;
	[sflag:s11] =	ssyncadd.s32 $0xFFFFE700  }
.LBB2_2:
0x7e: {  	[tilespmem:s18], [sflag:$0x9] =	stream.indirect.gather [hbm4b:s3+s15], $0x20, s5, s15, $0xb8;
	[tilespmem:$0x12C00] =	vst v63  }
0x7f: {  	_ =	swait.ge [sflag:s20], $0x1900  }
0x80: {  	s14 =	smov.u32 s13;
	s12 =	rddreg [dreg:$0x3]  }
0x81: {  	[sflag:s20] =	ssyncset.done $0x0;
	s5 =	sadd.s32 s14, s12  }
0x82: {  	[sflag:s20] =	ssyncadd.s32 $0xFFFFE700;
	s12 =	sadd.s32 $0xC80, s5  }
0x83: {  	[hbm4b:s12+s2] =	stream.linear.scatter [tilespmem:s24], [sflag:$0xE], $0x1900, $0x38;
	[tilespmem:$0x12C00] =	vst v63  }
0x84: {  	_ =	swait.ge [sflag:s23], $0x1900  }
0x85: {  	s14 =	sshra.s32 s14, $0x2;
	[sflag:s23] =	ssyncset.done $0x0  }
0x86: {  	s12 =	sadd.s32 $0x640, s14;
	[sflag:s23] =	ssyncadd.s32 $0xFFFFE700  }
0x87: {  	[tilespmem:s16], [sflag:$0x2] =	stream.indirect.gather [hbm4b:s3+s15], $0x20, s12, s15, $0xb8;
	[tilespmem:$0x12C00] =	vst v63  }
0x88: {  	_ =	swait.ge [sflag:s26], $0x1900  }
0x89: {  	[sflag:s26] =	ssyncset.done $0x0  }
0x8a: {  	s12 =	sadd.s32 $0xFA0, s5;
	[sflag:s26] =	ssyncadd.s32 $0xFFFFE700  }
0x8b: {  	[hbm4b:s12+s2] =	stream.linear.scatter [tilespmem:s28], [sflag:$0xF], $0x1900, $0x38;
	[tilespmem:$0x12C00] =	vst v63  }
0x8c: {  	_ =	swait.ge [sflag:s30], $0x1900  }
0x8d: {  	[sflag:s30] =	ssyncset.done $0x0  }
0x8e: {  	s12 =	sadd.s32 $0x708, s14;
	[sflag:s30] =	ssyncadd.s32 $0xFFFFE700  }
0x8f: {  	[tilespmem:s17], [sflag:$0x3] =	stream.indirect.gather [hbm4b:s3+s15], $0x20, s12, s15, $0xb8;
	[tilespmem:$0x12C00] =	vst v63  }
0x90: {  	_ =	swait.ge [sflag:s0], $0x1900  }
0x91: {  	[sflag:s0] =	ssyncset.done $0x0  }
0x92: {  	s12 =	sadd.s32 $0x12C0, s5;
	[sflag:s0] =	ssyncadd.s32 $0xFFFFE700  }
0x93: {  	[hbm4b:s12+s2] =	stream.linear.scatter [tilespmem:s31], [sflag:$0x10], $0x1900, $0x38;
	[tilespmem:$0x12C00] =	vst v63  }
0x94: {  	_ =	swait.ge [sflag:s4], $0x1900  }
0x95: {  	[sflag:s4] =	ssyncset.done $0x0  }
0x96: {  	s12 =	sadd.s32 $0x7D0, s14;
	[sflag:s4] =	ssyncadd.s32 $0xFFFFE700  }
0x97: {  	[tilespmem:s19], [sflag:$0x4] =	stream.indirect.gather [hbm4b:s3+s15], $0x20, s12, s15, $0xb8;
	[tilespmem:$0x12C00] =	vst v63  }
0x98: {  	_ =	swait.ge [sflag:s6], $0x1900  }
0x99: {  	[sflag:s6] =	ssyncset.done $0x0  }
0x9a: {  	s12 =	sadd.s32 $0x15E0, s5;
	[sflag:s6] =	ssyncadd.s32 $0xFFFFE700  }
0x9b: {  	[hbm4b:s12+s2] =	stream.linear.scatter [tilespmem:s18], [sflag:$0x11], $0x1900, $0x38;
	[tilespmem:$0x12C00] =	vst v63  }
0x9c: {  	_ =	swait.ge [sflag:s7], $0x1900  }
0x9d: {  	[sflag:s7] =	ssyncset.done $0x0  }
0x9e: {  	s12 =	sadd.s32 $0x898, s14;
	[sflag:s7] =	ssyncadd.s32 $0xFFFFE700  }
0x9f: {  	[tilespmem:s21], [sflag:$0x5] =	stream.indirect.gather [hbm4b:s3+s15], $0x20, s12, s15, $0xb8;
	[tilespmem:$0x12C00] =	vst v63  }
0xa0: {  	_ =	swait.ge [sflag:s22], $0x1900  }
0xa1: {  	[sflag:s22] =	ssyncset.done $0x0  }
0xa2: {  	s12 =	sadd.s32 $0x1900, s5;
	[sflag:s22] =	ssyncadd.s32 $0xFFFFE700  }
0xa3: {  	[hbm4b:s12+s2] =	stream.linear.scatter [tilespmem:s16], [sflag:$0xA], $0x1900, $0x38;
	[tilespmem:$0x12C00] =	vst v63  }
0xa4: {  	_ =	swait.ge [sflag:s8], $0x1900  }
0xa5: {  	[sflag:s8] =	ssyncset.done $0x0  }
0xa6: {  	s12 =	sadd.s32 $0x960, s14;
	[sflag:s8] =	ssyncadd.s32 $0xFFFFE700  }
0xa7: {  	[tilespmem:s24], [sflag:$0x6] =	stream.indirect.gather [hbm4b:s3+s15], $0x20, s12, s15, $0xb8;
	[tilespmem:$0x12C00] =	vst v63  }
0xa8: {  	_ =	swait.ge [sflag:s25], $0x1900  }
0xa9: {  	[sflag:s25] =	ssyncset.done $0x0  }
0xaa: {  	s12 =	sadd.s32 $0x1C20, s5;
	[sflag:s25] =	ssyncadd.s32 $0xFFFFE700  }
0xab: {  	[hbm4b:s12+s2] =	stream.linear.scatter [tilespmem:s17], [sflag:$0xB], $0x1900, $0x38;
	[tilespmem:$0x12C00] =	vst v63  }
0xac: {  	_ =	swait.ge [sflag:s9], $0x1900  }
0xad: {  	[sflag:s9] =	ssyncset.done $0x0  }
0xae: {  	s12 =	sadd.s32 $0xA28, s14;
	[sflag:s9] =	ssyncadd.s32 $0xFFFFE700  }
0xaf: {  	[tilespmem:s28], [sflag:$0x7] =	stream.indirect.gather [hbm4b:s3+s15], $0x20, s12, s15, $0xb8;
	[tilespmem:$0x12C00] =	vst v63  }
0xb0: {  	_ =	swait.ge [sflag:s29], $0x1900  }
0xb1: {  	[sflag:s29] =	ssyncset.done $0x0  }
0xb2: {  	s12 =	sadd.s32 $0x1F40, s5;
	[sflag:s29] =	ssyncadd.s32 $0xFFFFE700  }
0xb3: {  	[hbm4b:s12+s2] =	stream.linear.scatter [tilespmem:s19], [sflag:$0xC], $0x1900, $0x38;
	[tilespmem:$0x12C00] =	vst v63  }
0xb4: {  	_ =	swait.ge [sflag:s10], $0x1900  }
0xb5: {  	[sflag:s10] =	ssyncset.done $0x0  }
0xb6: {  	s12 =	sadd.s32 $0xAF0, s14;
	[sflag:s10] =	ssyncadd.s32 $0xFFFFE700  }
0xb7: {  	[tilespmem:s31], [sflag:$0x8] =	stream.indirect.gather [hbm4b:s3+s15], $0x20, s12, s15, $0xb8;
	[tilespmem:$0x12C00] =	vst v63  }
0xb8: {  	_ =	swait.ge [sflag:s1], $0x1900  }
0xb9: {  	p0 =	sne.s32 s13, $0x15E00;
	[sflag:s1] =	ssyncset.done $0x0  }
.Ltmp0:
0xba: {  	s5 =	sadd.s32 $0x2260, s5;
	[sflag:s1] =	ssyncadd.s32 $0xFFFFE700;
	(pc) =	sbr.rel @p0 .LBB2_2-.Ltmp0, $4  }
0xbb: {  	[hbm4b:s5+s2] =	stream.linear.scatter [tilespmem:s21], [sflag:$0xD], $0x1900, $0x38;
	[tilespmem:$0x12C00] =	vst v63  }
0xbc: {  	_ =	swait.ge [sflag:s11], $0x1900  }
0xbd: {  	[sflag:s11] =	ssyncset.done $0x0  }
0xbe: {  	s13 =	sadd.s32 $0x1900, s13;
	s5 =	sadd.s32 $0xBB8, s14;
	[sflag:s11] =	ssyncadd.s32 $0xFFFFE700  }
0xbf: {  	[tilespmem:s18], [sflag:$0x9] =	stream.indirect.gather [hbm4b:s3+s15], $0x20, s5, s15, $0xb8;
	[tilespmem:$0x12C00] =	vst v63  }
0xc0: {  	_ =	swait.ge [sflag:s20], $0x1900  }
0xc1: {  	[sflag:s20] =	ssyncset.done $0x0  }
0xc2: {  	s13 =	rddreg [dreg:$0x9];
	[sflag:s20] =	ssyncadd.s32 $0xFFFFE700  }
0xc3: {  	[hbm4b:s13+s2] =	stream.linear.scatter [tilespmem:s24], [sflag:$0xE], $0x1900, $0x38;
	[tilespmem:$0x12C00] =	vst v63  }
0xc4: {  	_ =	swait.ge [sflag:s26], $0x1900  }
0xc5: {  	[sflag:s26] =	ssyncset.done $0x0  }
0xc6: {  	s14 =	rddreg [dreg:$0xa];
	[sflag:s26] =	ssyncadd.s32 $0xFFFFE700  }
0xc7: {  	[hbm4b:s14+s2] =	stream.linear.scatter [tilespmem:s28], [sflag:$0xF], $0x1900, $0x38;
	[tilespmem:$0x12C00] =	vst v63  }
0xc8: {  	_ =	swait.ge [sflag:s0], $0x1900  }
0xc9: {  	[sflag:s0] =	ssyncset.done $0x0  }
0xca: {  	s12 =	rddreg [dreg:$0xb];
	[sflag:s0] =	ssyncadd.s32 $0xFFFFE700  }
0xcb: {  	[hbm4b:s12+s2] =	stream.linear.scatter [tilespmem:s31], [sflag:$0x10], $0x1900, $0x38;
	[tilespmem:$0x12C00] =	vst v63  }
0xcc: {  	_ =	swait.ge [sflag:s6], $0x1900  }
0xcd: {  	[sflag:s6] =	ssyncset.done $0x0  }
0xce: {  	s13 =	rddreg [dreg:$0xc];
	[sflag:s6] =	ssyncadd.s32 $0xFFFFE700  }
0xcf: {  	[hbm4b:s13+s2] =	stream.linear.scatter [tilespmem:s18], [sflag:$0x11], $0x1900, $0x38;
	[tilespmem:$0x12C00] =	vst v63  }
0xd0: {  	_ =	swait.ge [sflag:s23], $0x1900  }
0xd1: {  	[sflag:s23] =	ssyncset.done $0x0  }
0xd2: {  	[sflag:s23] =	ssyncadd.s32 $0xFFFFE700  }
0xd3: {  	_ =	swait.ge [sflag:s30], $0x1900  }
0xd4: {  	[sflag:s30] =	ssyncset.done $0x0  }
0xd5: {  	[sflag:s30] =	ssyncadd.s32 $0xFFFFE700  }
0xd6: {  	_ =	swait.ge [sflag:s4], $0x1900  }
0xd7: {  	[sflag:s4] =	ssyncset.done $0x0  }
0xd8: {  	[sflag:s4] =	ssyncadd.s32 $0xFFFFE700  }
0xd9: {  	_ =	swait.ge [sflag:s7], $0x1900  }
0xda: {  	[sflag:s7] =	ssyncset.done $0x0  }
0xdb: {  	[sflag:s7] =	ssyncadd.s32 $0xFFFFE700  }
0xdc: {  	_ =	swait.ge [sflag:s8], $0x1900  }
0xdd: {  	[sflag:s8] =	ssyncset.done $0x0  }
0xde: {  	[sflag:s8] =	ssyncadd.s32 $0xFFFFE700  }
0xdf: {  	_ =	swait.ge [sflag:s9], $0x1900  }
0xe0: {  	[sflag:s9] =	ssyncset.done $0x0  }
0xe1: {  	[sflag:s9] =	ssyncadd.s32 $0xFFFFE700  }
0xe2: {  	_ =	swait.ge [sflag:s10], $0x1900  }
0xe3: {  	[sflag:s10] =	ssyncset.done $0x0  }
0xe4: {  	[sflag:s10] =	ssyncadd.s32 $0xFFFFE700  }
0xe5: {  	_ =	swait.ge [sflag:s11], $0x1900  }
0xe6: {  	s12 =	rddreg [dreg:$0xe]  }
0xe7: {  	s14 =	rddreg [dreg:$0xd];
	s12 =	sadd.s32 $0x1, s12  }
0xe8: {  	p0 =	sne.s32 s12, s14  }
.Ltmp1:
0xe9: {  	_ = 	snop;
	(pc) =	sbr.rel @p0 .LBB2_1-.Ltmp1, $3  }
0xea: {  	_ =	sdelay $0x1  }
0xeb: {  	[sflag:s11] =	ssyncset.done $0x0  }
0xec: {  	[sflag:s11] =	ssyncadd.s32 $0xFFFFE700  }
0xed: {  	_ =	sfence.sel $0x180000  }
0xee: {  	[bflag:$0x0] =	sbarrier.arrive $0xFFFF  }
0xef: {  	_ =	strace $0x90000047  }
0xf0: {  	s0 =	stileid.u32;
	[bflag:$0x2] =	sbarrier.arrive $0xFFFF  }
0xf1: {  	p0 =	sne.s32 s0, $0x0;
	s0 =	rddreg [dreg:$0x2]  }
0xf2: {  	s0 =	sadd.s32 @!p0 $0x100000, s0  }
0xf3: {  	[sflag:s0] =	ssyncadd.tile.s32 @!p0 $0x1;
	_ =	shalt  }
.Lfunc_end2:
_tile_overlayer_lowered:
.L_overlay_start_2:
0xf4: {  	(tag) =	ssettag $0x2  }
0xf5: {  	s0 =	rddreg [dreg:$0x0];
	s2 =	stileid.u32  }
0xf6: {  	s1 =	rddreg [dreg:$0x1];
	p0 =	sne.s32 s2, $0x0  }
0xf7: {  	s3 =	rddreg [dreg:$0x2];
	[bflag:$0x3] =	sbarrier.arrive $0xFFFF;
	s2 =	simm.s32 @!p0 $0x1C12  }
0xf8: {  	[timem:s3], [sflag:s2] =	dma.local @!p0 [hbm:s0], s1  }
0xf9: {  	s0 =	simm.s32 @!p0 $0x12  }
0xfa: {  	_ =	swait.ge @!p0 [sflag:s0], s1  }
0xfb: {  	s1 =	ssub.s32 @!p0 $0x0, s1;
	[sflag:s0] =	ssyncset.done @!p0 $0x0  }
0xfc: {  	[sflag:s0] =	ssyncadd.s32 @!p0 s1  }
0xfd: {  	[bflag:$0x3] =	sbarrier.arrive $0xFFFF  }
0xfe: {  	_ =	shalt  }

// kernel: sparse-core-data-format-call.cloned.1.call-start
scs
called_computation_lowered:
.L_overlay_start_0:
0x0: {  	s2 =	sld [smem:$0x3FD9]  }
0x1: {  	s3 =	sld [smem:$0x3FFE];
	_ =	sdelay $0x1  }
0x2: {  	s1 =	srdreg.scid  }
0x3: {  	s0 =	sand.u32 $0x1, s1  }
0x4: {  	s18 =	sshll.u32 s0, $0xA;
	s2 =	sadd.s32 s3, s2  }
0x5: {  	s2 =	sadd.s32 s2, s18  }
0x6: {  	[smem:$0x3FC6] =	sst s2  }
0x7: {  	_ = 	snop  }
0x8: {  	s2 =	sld [smem:$0x3FD0];
	(tm) =	ssettm $0x1  }
0x9: {  	s19 =	sld [smem:$0x3FFB];
	_ =	sdelay $0x3  }
0xa: {  	_ =	strace s19  }
0xb: {  	s3 =	sld [smem:$0x3FFC];
	_ =	sdelay $0x3  }
0xc: {  	_ =	strace s3  }
0xd: {  	s3 =	sld [smem:$0x3FFD];
	_ =	sdelay $0x3  }
0xe: {  	_ =	strace s3  }
0xf: {  	_ =	strace $0x8FFFFFFF  }
0x10: {  	s20 =	sld [smem:$0x3FDB];
	_ =	sdelay $0x1  }
0x11: {  	s4 =	simm.s32 $_scs_section_size  }
0x12: {  	s5 =	simm.s32 $_size__tile_overlayer_lowered;
	s6 =	simm.s32 $_tile_overlayer_lowered  }
0x13: {  	s23 =	simm.s32 $0x1BFF;
	s22 =	sshll.u32 s6, $0x1;
	s3 =	sadd.s32 s4, s20  }
0x14: {  	s7 =	simm.s32 $0x0;
	s21 =	sshll.u32 s5, $0x1;
	s5 =	sadd.s32 s22, s3  }
0x15: {  	[timem:s7], [sflag:s23] =	dma.local [hbm:s5], s21  }
0x16: {  	_ =	swait.ge [sflag:s23], s21  }
0x17: {  	s4 =	ssub.s32 $0x0, s21;
	[sflag:s23] =	ssyncset.done $0x0  }
0x18: {  	[sflag:s23] =	ssyncadd.s32 s4;
	_ =	sdelay $0x1  }
0x19: {  	s24 =	simm.s32 $0x1B8B  }
0x1a: {  	_ =	swait.ge [sflag:s24], $0x1  }
0x1b: {  	[sflag:s24] =	ssyncset.done $0x0  }
0x1c: {  	s26 =	simm.s32 $0x1B8E;
	s25 =	sld [smem:$0x3FFE];
	[sflag:s24] =	ssyncadd.s32 $0xFFFFFFFF  }
0x1d: {  	s27 =	simm.s32 $execute0_lowered;
	[smem:$0x3FD2] =	sst s26  }
0x1e: {  	s5 =	sshll.u32 s27, $0x1;
	_ =	strace $0x80000049;
	[dreg:$0x1] =	wrdreg $0xFFFFFFFF  }
0x1f: {  	s28 =	simm.s32 $_size_execute0_lowered;
	s3 =	sadd.s32 s3, s5;
	[dreg:$0x0] =	wrdreg $0x0  }
0x20: {  	s5 =	sshll.u32 s28, $0x1;
	[dreg:$0x2] =	wrdreg s3  }
0x21: {  	[dreg:$0x3] =	wrdreg s5  }
0x22: {  	[dreg:$0x4] =	wrdreg $0xC0  }
0x23: {  	_ =	task [dreg:s7], $0x5FFFF  }
0x24: {  	[dreg:$0x1] =	wrdreg $0xFFFFFFFF  }
0x25: {  	[dreg:$0x0] =	wrdreg $0x60  }
0x26: {  	[dreg:$0x2] =	wrdreg s25  }
0x27: {  	[dreg:$0x3] =	wrdreg s2  }
0x28: {  	[dreg:$0x4] =	wrdreg $0x9  }
0x29: {  	_ =	task.clear_ibuf [dreg:s7], $0x5FFFF;
	_ =	strace $0x90000049  }
0x2a: {  	s29 =	simm.s32 $0x9;
	_ =	strace $0x8000004B  }
0x2b: {  	_ =	swait.ge [sflag:s29], $0x1  }
0x2c: {  	[sflag:s29] =	ssyncadd.s32 $0xFFFFFFFF  }
0x2d: {  	_ =	strace $0x9000004B  }
0x2e: {  	_ =	sfence  }
0x2f: {  	s30 =	sld [smem:$0x0];
	_ =	sdelay $0x2  }
0x30: {  	s31 =	sshll.u32 s1, $0xD;
	s1 =	sshrl.u32 s1, $0x2  }
0x31: {  	s3 =	sand.u32 $0x4000, s31;
	s1 =	sadd.s32 s1, s30  }
0x32: {  	s0 =	sor.u32 s3, s0;
	s1 =	sshll.u32 s1, $0x11  }
0x33: {  	s0 =	sor.u32 s1, s0  }
0x34: {  	s0 =	sadd.s32 $0x8F2B, s0  }
0x35: {  	[sflag:s0] =	ssyncadd.remote.s32 $0x1  }
0x36: {  	_ =	sfence.sel $0xFFFF  }
0x37: {  	[dreg:$0x0] =	wrdreg $0xFFFFFFFF;
	(pc) =	sbr.abs _section_cstart, $3  }
0x38: {  	[dreg:$0x1] =	wrdreg $0xFFFFFFFF  }
0x39: {  	_ =	task.clear_ibuf [dreg:s7], $0x2FFFF;
	_ =	strace $0x9FFFFFFF  }
0x3a: {  	(tm) =	ssettm $0x7FFFFFFF  }
0x3b: {  	_ =	shalt  }
tec
execute0_lowered:
.L_overlay_start_1:
0x0: {  	(tag) =	ssettag $0x1  }
0x1: {  	s0 =	srdreg.scid  }
0x2: {  	s1 =	sshll.u32 s0, $0x4  }
0x3: {  	s0 =	stileid.u32;
	s1 =	sand.u32 $0x10, s1  }
0x4: {  	s1 =	sor.u32 s0, s1  }
0x5: {  	s6 =	rddreg [dreg:$0x0];
	s4 =	simm.s32 $0x1;
	s2 =	sshll.u32 s1, $0x7  }
0x6: {  	s7 =	simm.s32 $0x2;
	s12 =	simm.s32 $0x0;
	s1 =	ssub.s32 $0x1000, s2  }
0x7: {  	s8 =	simm.s32 $0x8000;
	s13 =	simm.s32 $0x0;
	s3 =	sand.u32 $0xF80, s1  }
0x8: {  	s9 =	simm.s32 $0x0;
	s5 =	sshrl.u32 s1, $0xC;
	p0 =	sne.s32 s3, $0x0  }
.Ltmp0:
0x9: {  	s1 =	rddreg [dreg:$0x2];
	s4 =	simm.s32 @!p0 $0x0;
	(pc) =	sbr.rel .LBB1_1-.Ltmp0, $4  }
0xa: {  	s11 =	simm.s32 $0x0;
	s3 =	rddreg [dreg:$0x1];
	s5 =	sadd.s32 s4, s5  }
0xb: {  	_ =	strace $0x8000004A;
	s4 =	simm.s32 $0x1;
	s5 =	smul.u32 $0xC8, s5  }
0xc: {  	s6 =	sadd.s32 $0xA00, s6;
	s10 =	smov.u32 s2;
	[sflag:s4] =	ssyncpa.u1 $0x0  }
0xd: {  	p0 =	por $0x0, $0x0;
	[sflag:s7] =	ssyncpa.u1 $0x0;
	s7 =	sor.u32 $0x1, s5  }
.LBB1_4:
0xe: {  	s16 =	sshll.u32 s13, $0x3;
	s17 =	sand.u32 $0x78, s13  }
0xf: {  	s30 =	sand.u32 $0x3E00, s13;
	s12 =	sshll.u32 s12, $0xE;
	s16 =	sand.u32 $0xC00, s16  }
0x10: {  	s31 =	sand.u32 $0x7, s13;
	s16 =	sor.u32 s17, s16;
	s17 =	sadd.s32 s3, s30  }
0x11: {  	s13 =	sshll.u32 s31, $0x12;
	s16 =	sshrl.u32 s16, $0x3;
	s12 =	sadd.s32 s12, s17  }
0x12: {  	[tilespmem:s15+$0x0 ss:$0x81] =	vst.msk $0xffff, v0;
	s13 =	sor.u32 $0x400, s13;
	s12 =	sadd.s32 s16, s12  }
0x13: {  	[hbm4b:s12+s13] =	stream.strided.scatter [tilespmem:s14], [sflag:$0x2], $0x1000, s8, s13, $0x20;
	[tilespmem:$0x4040] =	vst v63  }
.LBB1_5:
0x14: {  	s14 =	sadd.s32 $0x1, s9  }
0x15: {  	s12 =	sadd.s32 $0x1000, s10;
	s16 =	smov.u32 s10;
	p2 =	sgt.s32 s14, $0xC7  }
0x16: {  	s16 =	smov.u32 @p2 s12  }
0x17: {  	s14 =	simm.s32 @p2 $0x0;
	p2 =	sgt.s32 s16, $0xFFF  }
0x18: {  	s16 =	smov.u32 @p2 s2;
	p2 =	sne.s32 s11, s7  }
.Ltmp1:
0x19: {  	p1 =	slt.u32 s11, $0x2;
	(pc) =	sbr.rel @!p2 .LBB1_6-.Ltmp1, $4  }
0x1a: {  	s15 =	simm.s32 @!p1 $0x2  }
0x1b: {  	s13 =	smov.u32 s10;
	p0 =	por !p0, !p0;
	_ =	swait.ge @!p1 [sflag:s15], $0x1000  }
0x1c: {  	s12 =	smov.u32 s9;
	[sflag:s15] =	ssyncset.done @!p1 $0x0;
	s9 =	smov.u32 s14  }
0x1d: {  	s11 =	sadd.s32 $0x1, s11;
	[sflag:s15] =	ssyncadd.s32 @!p1 $0xFFFFF000;
	s10 =	smov.u32 s16  }
.LBB1_1:
0x1e: {  	p1 =	sge.u32 s11, s5  }
0x1f: {  	s14 =	sand.u32 @!p1 $0x1FFFFFF, s9  }
0x20: {  	s15 =	smulhi.u32 @!p1 $0x147AE15, s14;
	_ =	sdelay $0x1  }
0x21: {  	s15 =	smul.u32 @!p1 $0xC8, s15  }
0x22: {  	s16 =	sxor.u32 @!p1 $0xFFFFFFFF, s11;
	s17 =	smul.u32 @!p1 $0xC80, s10  }
0x23: {  	s31 =	sadd.s32 $0xFFFFFFFF, s11;
	s16 =	sshll.u32 @!p1 s16, $0xC;
	s14 =	ssub.s32 @!p1 s14, s15  }
0x24: {  	s15 =	sand.u32 @!p1 $0x1000, s16;
	s16 =	sadd.s32 @!p1 s6, s17;
	s14 =	sshll.u32 @!p1 s14, $0x4  }
0x25: {  	s17 =	simm.s32 @!p1 $0x6400;
	s14 =	sadd.s32 @!p1 s14, s16;
	s16 =	simm.s32 @!p1 $0x20  }
0x26: {  	[tilespmem:s15], [sflag:$0x1] =	stream.strided.gather @!p1 [hbm4b:s14+s16], $0x1000, s17, s16, $0x38;
	[tilespmem:$0x4040] =	vst v63  }
0x27: {  	p1 =	sge.u32 s31, s5  }
.Ltmp2:
0x28: {  	_ = 	snop;
	(pc) =	sbr.rel @p1 .LBB1_5-.Ltmp2, $1  }
0x29: {  	_ =	sdelay $0x3  }
0x2a: {  	s14 =	simm.s32 $0x1  }
0x2b: {  	_ =	swait.ge [sflag:s4], $0x1000;
	s14 =	simm.s32 @!p0 $0x0  }
0x2c: {  	[sflag:s4] =	ssyncset.done $0x0;
	s15 =	sshll.u32 s14, $0xC  }
0x2d: {  	[sflag:s4] =	ssyncadd.s32 $0xFFFFF000;
	s18 =	sor.u32 $0x10, s15  }
0x2e: {  	s14 =	smul.u32 $0x4080, s14;
	v1 =	vld [tilespmem:s18+$0x0]  }
0x2f: {  	s30 =	sand.u32 $0x1, s11;
	v0 =	vld [tilespmem:s18+$0xFFFFFFF0]  }
0x30: {  	s15 =	smul.u32 $0x4080, s30;
	s14 =	sshrl.u32 s14, $0x2  }
0x31: {  	s16 =	sor.u32 $0x2000, s14  }
0x32: {  	s31 =	sshrl.u32 s15, $0x2;
	s15 =	sadd.s32 $0x0, s16  }
0x33: {  	s17 =	simm.s32 $0x4;
	s18 =	sadd.s32 $0x20, s18;
	s14 =	sor.u32 $0x2000, s31;
	[tilespmem:s15+$0x810 ss:$0x81] =	vst.msk $0xffff, v1  }
.LBB1_3:
0x34: {  	v1 =	vld [tilespmem:s18+$0x0];
	p1 =	sne.s32 s17, $0x1FC;
	[tilespmem:s15+$0x0 ss:$0x81] =	vst.msk $0xffff, v0;
	s15 =	smov.u32 s17;
	s17 =	sadd.s32 $0x4, s17  }
.Ltmp3:
0x35: {  	v0 =	vld [tilespmem:s18+$0xFFFFFFF0];
	(pc) =	sbr.rel @p1 .LBB1_3-.Ltmp3, $4  }
0x36: {  	_ = 	snop  }
0x37: {  	s15 =	sshra.s32 s15, $0x2  }
0x38: {  	s15 =	sadd.s32 s15, s16  }
0x39: {  	s18 =	sadd.s32 $0x20, s18;
	[tilespmem:s15+$0x810 ss:$0x81] =	vst.msk $0xffff, v1  }
.Ltmp4:
0x3a: {  	_ = 	snop;
	(pc) =	sbr.rel .LBB1_4-.Ltmp4, $1  }
0x3b: {  	_ =	sdelay $0x3  }
.LBB1_6:
0x3c: {  	_ =	sfence.sel $0x180000  }
0x3d: {  	s2 =	simm.s32 $0x1;
	[bflag:$0x0] =	sbarrier.arrive $0xFFFF  }
0x3e: {  	s31 =	simm.s32 $0x2;
	[sflag:s2] =	ssyncpa.u1 $0x1  }
0x3f: {  	[sflag:s31] =	ssyncpa.u1 $0x1  }
0x40: {  	p0 =	sne.s32 s0, $0x0;
	_ =	strace $0x9000004A  }
0x41: {  	s0 =	sadd.s32 @!p0 $0x100000, s1;
	[bflag:$0x2] =	sbarrier.arrive $0xFFFF  }
0x42: {  	[sflag:s0] =	ssyncadd.tile.s32 @!p0 $0x1;
	_ =	shalt  }
.Lfunc_end1:
_tile_overlayer_lowered:
.L_overlay_start_2:
0x43: {  	(tag) =	ssettag $0x2  }
0x44: {  	s0 =	rddreg [dreg:$0x0];
	s2 =	stileid.u32  }
0x45: {  	s1 =	rddreg [dreg:$0x1];
	p0 =	sne.s32 s2, $0x0  }
0x46: {  	s3 =	rddreg [dreg:$0x2];
	[bflag:$0x3] =	sbarrier.arrive $0xFFFF;
	s2 =	simm.s32 @!p0 $0x1C01  }
0x47: {  	[timem:s3], [sflag:s2] =	dma.local @!p0 [hbm:s0], s1  }
0x48: {  	s0 =	simm.s32 @!p0 $0x1  }
0x49: {  	_ =	swait.ge @!p0 [sflag:s0], s1  }
0x4a: {  	s1 =	ssub.s32 @!p0 $0x0, s1;
	[sflag:s0] =	ssyncset.done @!p0 $0x0  }
0x4b: {  	[sflag:s0] =	ssyncadd.s32 @!p0 s1  }
0x4c: {  	[bflag:$0x3] =	sbarrier.arrive $0xFFFF  }
0x4d: {  	_ =	shalt  }

</sc_bundles>
